<compile_context>
chip_gen: v7x
topology: tpu7x:2x2x1
jax: 0.10.2.dev20260603
libtpu: 0.0.44.dev20260713+nightly
codegen_flags: <defaults>
</compile_context>

<pallas_src>
import functools

import jax
import jax.numpy as jnp
from jax import lax
from jax.experimental import pallas as pl
from jax.experimental.pallas import tpu as pltpu
from jax.experimental.pallas import tpu_sc as plsc


def _make_broadcast_kernel(B, T, D, t):
    info = plsc.get_sparse_core_info()
    ns, nl = info.num_subcores, info.num_lanes
    nc = 1
    nw = nc * ns
    rows_per_w = B // nw
    blk = 16
    n_dma = rows_per_w // blk
    mesh = plsc.VectorSubcoreMesh(
        core_axis_name="c", subcore_axis_name="s", num_cores=nc
    )

    @functools.partial(
        pl.kernel,
        mesh=mesh,
        out_type=jax.ShapeDtypeStruct((B, D), jnp.float32),
        scratch_types=[
            pltpu.VMEM((blk, D), jnp.float32),
            pltpu.SemaphoreType.DMA,
        ],
    )
    def body(param_hbm, out_hbm, buf, sem):
        wid = lax.axis_index("s") * nc + lax.axis_index("c")
        base = wid * rows_per_w
        pltpu.sync_copy(param_hbm.at[pl.ds(t, 1)], buf.at[pl.ds(0, 1)])
        chunks = [buf[0, pl.ds(i * nl, nl)] for i in range(D // nl)]
        for r in range(1, blk):
            for i in range(D // nl):
                buf[r, pl.ds(i * nl, nl)] = chunks[i]
        copies = [
            pltpu.async_copy(buf, out_hbm.at[pl.ds(base + j * blk, blk)], sem)
            for j in range(n_dma)
        ]
        for c in copies:
            c.wait()

    return body


def kernel(designs, outcomes, designs_param):
    B = designs.shape[0]
    t = designs.shape[1]
    T, D = designs_param.shape
    return _make_broadcast_kernel(B, T, D, t)(designs_param)

# --- scband reference (transcript-rebuilt; emitter-appended) ---
"""Pipeline reference for scband-static-design-network-14474039788271 (READ-ONLY COPY).

The authoritative reference and input builder live on the scoring server;
editing this copy changes nothing except your own understanding.
"""

import jax, jax.numpy as jnp
import numpy as np

DESIGN_DIM = 128
T_TOTAL = 200
INIT_STD = 0.01
B = 4096
T_HIST = 50
OBS_DIM = 16


def setup_inputs(seed: int = 0) -> dict:
    key = jax.random.key(seed)
    k1, k2, k3 = jax.random.split(key, 3)
    designs = jax.random.normal(k1, (B, T_HIST, DESIGN_DIM), dtype=jnp.float32)
    outcomes = jax.random.normal(k2, (B, T_HIST, OBS_DIM), dtype=jnp.float32)
    designs_param = jax.random.normal(k3, (T_TOTAL, DESIGN_DIM), dtype=jnp.float32) * INIT_STD
    return {"designs": designs, "outcomes": outcomes, "designs_param": designs_param}


def reference(designs, outcomes, designs_param):
    # Faithful translation of StaticDesignNetwork.forward:
    # B = designs.shape[0]; t = designs.shape[1]
    # return self.designs[t].unsqueeze(0).expand(B, -1)
    b = designs.shape[0]
    t = designs.shape[1]
    row = jnp.take(designs_param, t, axis=0)  # [design_dim]
    return jnp.broadcast_to(row[None, :], (b, designs_param.shape[1]))

if __name__ == "__main__":
    import jax
    _d = setup_inputs()
    print(jax.jit(kernel)(*tuple(_d.values())))

</pallas_src>

<mosaic_0001>
#map = affine_map<(d0, d1) -> (0, 0)>
module attributes {stable_mosaic.version = 14 : i64} {
  func.func @body(%arg0: i32, %arg1: i32, %arg2: memref<200x128xf32, #tpu.memory_space<hbm>>, %arg3: memref<4096x128xf32, #tpu.memory_space<hbm>>, %arg4: memref<16x128xf32, #tpu.memory_space<vmem>>, %arg5: memref<!tpu.dma_semaphore, #tpu.memory_space<semaphore_mem>>) attributes {dimension_semantics = [#tpu.dimension_semantics<core_parallel>, #tpu.dimension_semantics<subcore_parallel>], iteration_bounds = array<i64: 1, 16>, scalar_prefetch = 0 : i64, scratch_operands = 2 : i64, tpu.core_type = #tpu.core_type<sc_vector_subcore>, window_params = [{transform_indices = #map}, {transform_indices = #map}]} {
    %mul3A = arith.constant 1 : i32
    %mul3A_0 = arith.muli %arg1, %mul3A : i32
    %add3A = arith.addi %mul3A_0, %arg0 : i32
    %mul3A_1 = arith.constant 256 : i32
    %mul3A_2 = arith.muli %add3A, %mul3A_1 : i32
    "tpu.region"() ({
      %run_scoped3A = tpu.sem_alloc : memref<!tpu.dma_semaphore, #tpu.memory_space<semaphore_mem>>
      %dma_start3A_919 = arith.constant 0 : i32
      %dma_start3A_920 = arith.constant 0 : i32
      %dma_start3A_921 = tpu.memref_slice %arg4[%dma_start3A_919, %dma_start3A_920] : memref<16x128xf32, #tpu.memory_space<vmem>> -> memref<1x128xf32, #tpu.memory_space<vmem>>
      %dma_start3A_922 = arith.constant 50 : i32
      %dma_start3A_923 = arith.constant 0 : i32
      %dma_start3A_924 = tpu.memref_slice %arg2[%dma_start3A_922, %dma_start3A_923] : memref<200x128xf32, #tpu.memory_space<hbm>> -> memref<1x128xf32, #tpu.memory_space<hbm>>
      %dma_start3A_925 = arith.constant 0 : i32
      %dma_start3A_926 = arith.constant 0 : i32
      %dma_start3A_927 = tpu.memref_slice %arg4[%dma_start3A_925, %dma_start3A_926] : memref<16x128xf32, #tpu.memory_space<vmem>> -> memref<1x128xf32, #tpu.memory_space<vmem>>
      %dma_start3A_928 = arith.constant 50 : i32
      %dma_start3A_929 = arith.constant 0 : i32
      %dma_start3A_930 = tpu.memref_slice %arg2[%dma_start3A_928, %dma_start3A_929] : memref<200x128xf32, #tpu.memory_space<hbm>> -> memref<1x128xf32, #tpu.memory_space<hbm>>
      tpu.enqueue_dma source(%dma_start3A_930 : memref<1x128xf32, #tpu.memory_space<hbm>>) target(%dma_start3A_927 : memref<1x128xf32, #tpu.memory_space<vmem>>) target_semaphore(%run_scoped3A : memref<!tpu.dma_semaphore, #tpu.memory_space<semaphore_mem>>)
      %dma_wait3A_931 = arith.constant 0 : i32
      %dma_wait3A_932 = arith.constant 0 : i32
      %dma_wait3A_933 = tpu.memref_slice %arg4[%dma_wait3A_931, %dma_wait3A_932] : memref<16x128xf32, #tpu.memory_space<vmem>> -> memref<1x128xf32, #tpu.memory_space<vmem>>
      %dma_wait3A_934 = arith.constant 50 : i32
      %dma_wait3A_935 = arith.constant 0 : i32
      %dma_wait3A_936 = tpu.memref_slice %arg2[%dma_wait3A_934, %dma_wait3A_935] : memref<200x128xf32, #tpu.memory_space<hbm>> -> memref<1x128xf32, #tpu.memory_space<hbm>>
      %dma_wait3A_937 = arith.constant 0 : i32
      %dma_wait3A_938 = arith.constant 0 : i32
      %dma_wait3A_939 = tpu.memref_slice %arg4[%dma_wait3A_937, %dma_wait3A_938] : memref<16x128xf32, #tpu.memory_space<vmem>> -> memref<1x128xf32, #tpu.memory_space<vmem>>
      %dma_wait3A_940 = arith.constant 50 : i32
      %dma_wait3A_941 = arith.constant 0 : i32
      %dma_wait3A_942 = tpu.memref_slice %arg2[%dma_wait3A_940, %dma_wait3A_941] : memref<200x128xf32, #tpu.memory_space<hbm>> -> memref<1x128xf32, #tpu.memory_space<hbm>>
      tpu.wait_dma2 semaphore(%run_scoped3A : memref<!tpu.dma_semaphore, #tpu.memory_space<semaphore_mem>>) src(%dma_wait3A_942 : memref<1x128xf32, #tpu.memory_space<hbm>>) dst(%dma_wait3A_939 : memref<1x128xf32, #tpu.memory_space<vmem>>)
      tpu.yield
    }) : () -> ()
    %get3A = arith.constant 0 : i32
    %get3A_3 = arith.index_cast %get3A : i32 to index
    %get3A_4 = arith.constant 0 : index
    %get3A_5 = tpu.vector_load %arg4[%get3A_3, %get3A_4] {strides = array<i32>} : memref<16x128xf32, #tpu.memory_space<vmem>>, vector<1x16xf32>,
    %get3A_6 = vector.shape_cast %get3A_5 : vector<1x16xf32> to vector<16xf32>
    %get3A_7 = arith.constant 0 : i32
    %get3A_8 = arith.index_cast %get3A_7 : i32 to index
    %get3A_9 = arith.constant 16 : index
    %get3A_10 = tpu.vector_load %arg4[%get3A_8, %get3A_9] {strides = array<i32>} : memref<16x128xf32, #tpu.memory_space<vmem>>, vector<1x16xf32>,
    %get3A_11 = vector.shape_cast %get3A_10 : vector<1x16xf32> to vector<16xf32>
    %get3A_12 = arith.constant 0 : i32
    %get3A_13 = arith.index_cast %get3A_12 : i32 to index
    %get3A_14 = arith.constant 32 : index
    %get3A_15 = tpu.vector_load %arg4[%get3A_13, %get3A_14] {strides = array<i32>} : memref<16x128xf32, #tpu.memory_space<vmem>>, vector<1x16xf32>,
    %get3A_16 = vector.shape_cast %get3A_15 : vector<1x16xf32> to vector<16xf32>
    %get3A_17 = arith.constant 0 : i32
    %get3A_18 = arith.index_cast %get3A_17 : i32 to index
    %get3A_19 = arith.constant 48 : index
    %get3A_20 = tpu.vector_load %arg4[%get3A_18, %get3A_19] {strides = array<i32>} : memref<16x128xf32, #tpu.memory_space<vmem>>, vector<1x16xf32>,
    %get3A_21 = vector.shape_cast %get3A_20 : vector<1x16xf32> to vector<16xf32>
    %get3A_22 = arith.constant 0 : i32
    %get3A_23 = arith.index_cast %get3A_22 : i32 to index
    %get3A_24 = arith.constant 64 : index
    %get3A_25 = tpu.vector_load %arg4[%get3A_23, %get3A_24] {strides = array<i32>} : memref<16x128xf32, #tpu.memory_space<vmem>>, vector<1x16xf32>,
    %get3A_26 = vector.shape_cast %get3A_25 : vector<1x16xf32> to vector<16xf32>
    %get3A_27 = arith.constant 0 : i32
    %get3A_28 = arith.index_cast %get3A_27 : i32 to index
    %get3A_29 = arith.constant 80 : index
    %get3A_30 = tpu.vector_load %arg4[%get3A_28, %get3A_29] {strides = array<i32>} : memref<16x128xf32, #tpu.memory_space<vmem>>, vector<1x16xf32>,
    %get3A_31 = vector.shape_cast %get3A_30 : vector<1x16xf32> to vector<16xf32>
    %get3A_32 = arith.constant 0 : i32
    %get3A_33 = arith.index_cast %get3A_32 : i32 to index
    %get3A_34 = arith.constant 96 : index
    %get3A_35 = tpu.vector_load %arg4[%get3A_33, %get3A_34] {strides = array<i32>} : memref<16x128xf32, #tpu.memory_space<vmem>>, vector<1x16xf32>,
    %get3A_36 = vector.shape_cast %get3A_35 : vector<1x16xf32> to vector<16xf32>
    %get3A_37 = arith.constant 0 : i32
    %get3A_38 = arith.index_cast %get3A_37 : i32 to index
    %get3A_39 = arith.constant 112 : index
    %get3A_40 = tpu.vector_load %arg4[%get3A_38, %get3A_39] {strides = array<i32>} : memref<16x128xf32, #tpu.memory_space<vmem>>, vector<1x16xf32>,
    %get3A_41 = vector.shape_cast %get3A_40 : vector<1x16xf32> to vector<16xf32>
    %swap3A = arith.constant 1 : i32
    %swap3A_42 = arith.index_cast %swap3A : i32 to index
    %swap3A_43 = arith.constant 0 : index
    %swap3A_44 = tpu.vector_load %arg4[%swap3A_42, %swap3A_43] {strides = array<i32>} : memref<16x128xf32, #tpu.memory_space<vmem>>, vector<1x16xf32>,
    %swap3A_45 = vector.shape_cast %swap3A_44 : vector<1x16xf32> to vector<16xf32>
    %swap3A_46 = vector.shape_cast %get3A_6 : vector<16xf32> to vector<1x16xf32>
    tpu.vector_store %arg4[%swap3A_42, %swap3A_43], %swap3A_46 {strides = array<i32>} : memref<16x128xf32, #tpu.memory_space<vmem>>, vector<1x16xf32>,
    %swap3A_47 = arith.constant 1 : i32
    %swap3A_48 = arith.index_cast %swap3A_47 : i32 to index
    %swap3A_49 = arith.constant 16 : index
    %swap3A_50 = tpu.vector_load %arg4[%swap3A_48, %swap3A_49] {strides = array<i32>} : memref<16x128xf32, #tpu.memory_space<vmem>>, vector<1x16xf32>,
    %swap3A_51 = vector.shape_cast %swap3A_50 : vector<1x16xf32> to vector<16xf32>
    %swap3A_52 = vector.shape_cast %get3A_11 : vector<16xf32> to vector<1x16xf32>
    tpu.vector_store %arg4[%swap3A_48, %swap3A_49], %swap3A_52 {strides = array<i32>} : memref<16x128xf32, #tpu.memory_space<vmem>>, vector<1x16xf32>,
    %swap3A_53 = arith.constant 1 : i32
    %swap3A_54 = arith.index_cast %swap3A_53 : i32 to index
    %swap3A_55 = arith.constant 32 : index
    %swap3A_56 = tpu.vector_load %arg4[%swap3A_54, %swap3A_55] {strides = array<i32>} : memref<16x128xf32, #tpu.memory_space<vmem>>, vector<1x16xf32>,
    %swap3A_57 = vector.shape_cast %swap3A_56 : vector<1x16xf32> to vector<16xf32>
    %swap3A_58 = vector.shape_cast %get3A_16 : vector<16xf32> to vector<1x16xf32>
    tpu.vector_store %arg4[%swap3A_54, %swap3A_55], %swap3A_58 {strides = array<i32>} : memref<16x128xf32, #tpu.memory_space<vmem>>, vector<1x16xf32>,
    %swap3A_59 = arith.constant 1 : i32
    %swap3A_60 = arith.index_cast %swap3A_59 : i32 to index
    %swap3A_61 = arith.constant 48 : index
    %swap3A_62 = tpu.vector_load %arg4[%swap3A_60, %swap3A_61] {strides = array<i32>} : memref<16x128xf32, #tpu.memory_space<vmem>>, vector<1x16xf32>,
    %swap3A_63 = vector.shape_cast %swap3A_62 : vector<1x16xf32> to vector<16xf32>
    %swap3A_64 = vector.shape_cast %get3A_21 : vector<16xf32> to vector<1x16xf32>
    tpu.vector_store %arg4[%swap3A_60, %swap3A_61], %swap3A_64 {strides = array<i32>} : memref<16x128xf32, #tpu.memory_space<vmem>>, vector<1x16xf32>,
    %swap3A_65 = arith.constant 1 : i32
    %swap3A_66 = arith.index_cast %swap3A_65 : i32 to index
    %swap3A_67 = arith.constant 64 : index
    %swap3A_68 = tpu.vector_load %arg4[%swap3A_66, %swap3A_67] {strides = array<i32>} : memref<16x128xf32, #tpu.memory_space<vmem>>, vector<1x16xf32>,
    %swap3A_69 = vector.shape_cast %swap3A_68 : vector<1x16xf32> to vector<16xf32>
    %swap3A_70 = vector.shape_cast %get3A_26 : vector<16xf32> to vector<1x16xf32>
    tpu.vector_store %arg4[%swap3A_66, %swap3A_67], %swap3A_70 {strides = array<i32>} : memref<16x128xf32, #tpu.memory_space<vmem>>, vector<1x16xf32>,
    %swap3A_71 = arith.constant 1 : i32
    %swap3A_72 = arith.index_cast %swap3A_71 : i32 to index
    %swap3A_73 = arith.constant 80 : index
    %swap3A_74 = tpu.vector_load %arg4[%swap3A_72, %swap3A_73] {strides = array<i32>} : memref<16x128xf32, #tpu.memory_space<vmem>>, vector<1x16xf32>,
    %swap3A_75 = vector.shape_cast %swap3A_74 : vector<1x16xf32> to vector<16xf32>
    %swap3A_76 = vector.shape_cast %get3A_31 : vector<16xf32> to vector<1x16xf32>
    tpu.vector_store %arg4[%swap3A_72, %swap3A_73], %swap3A_76 {strides = array<i32>} : memref<16x128xf32, #tpu.memory_space<vmem>>, vector<1x16xf32>,
    %swap3A_77 = arith.constant 1 : i32
    %swap3A_78 = arith.index_cast %swap3A_77 : i32 to index
    %swap3A_79 = arith.constant 96 : index
    %swap3A_80 = tpu.vector_load %arg4[%swap3A_78, %swap3A_79] {strides = array<i32>} : memref<16x128xf32, #tpu.memory_space<vmem>>, vector<1x16xf32>,
    %swap3A_81 = vector.shape_cast %swap3A_80 : vector<1x16xf32> to vector<16xf32>
    %swap3A_82 = vector.shape_cast %get3A_36 : vector<16xf32> to vector<1x16xf32>
    tpu.vector_store %arg4[%swap3A_78, %swap3A_79], %swap3A_82 {strides = array<i32>} : memref<16x128xf32, #tpu.memory_space<vmem>>, vector<1x16xf32>,
    %swap3A_83 = arith.constant 1 : i32
    %swap3A_84 = arith.index_cast %swap3A_83 : i32 to index
    %swap3A_85 = arith.constant 112 : index
    %swap3A_86 = tpu.vector_load %arg4[%swap3A_84, %swap3A_85] {strides = array<i32>} : memref<16x128xf32, #tpu.memory_space<vmem>>, vector<1x16xf32>,
    %swap3A_87 = vector.shape_cast %swap3A_86 : vector<1x16xf32> to vector<16xf32>
    %swap3A_88 = vector.shape_cast %get3A_41 : vector<16xf32> to vector<1x16xf32>
    tpu.vector_store %arg4[%swap3A_84, %swap3A_85], %swap3A_88 {strides = array<i32>} : memref<16x128xf32, #tpu.memory_space<vmem>>, vector<1x16xf32>,
    %swap3A_89 = arith.constant 2 : i32
    %swap3A_90 = arith.index_cast %swap3A_89 : i32 to index
    %swap3A_91 = arith.constant 0 : index
    %swap3A_92 = tpu.vector_load %arg4[%swap3A_90, %swap3A_91] {strides = array<i32>} : memref<16x128xf32, #tpu.memory_space<vmem>>, vector<1x16xf32>,
    %swap3A_93 = vector.shape_cast %swap3A_92 : vector<1x16xf32> to vector<16xf32>
    %swap3A_94 = vector.shape_cast %get3A_6 : vector<16xf32> to vector<1x16xf32>
    tpu.vector_store %arg4[%swap3A_90, %swap3A_91], %swap3A_94 {strides = array<i32>} : memref<16x128xf32, #tpu.memory_space<vmem>>, vector<1x16xf32>,
    %swap3A_95 = arith.constant 2 : i32
    %swap3A_96 = arith.index_cast %swap3A_95 : i32 to index
    %swap3A_97 = arith.constant 16 : index
    %swap3A_98 = tpu.vector_load %arg4[%swap3A_96, %swap3A_97] {strides = array<i32>} : memref<16x128xf32, #tpu.memory_space<vmem>>, vector<1x16xf32>,
    %swap3A_99 = vector.shape_cast %swap3A_98 : vector<1x16xf32> to vector<16xf32>
    %swap3A_100 = vector.shape_cast %get3A_11 : vector<16xf32> to vector<1x16xf32>
    tpu.vector_store %arg4[%swap3A_96, %swap3A_97], %swap3A_100 {strides = array<i32>} : memref<16x128xf32, #tpu.memory_space<vmem>>, vector<1x16xf32>,
    %swap3A_101 = arith.constant 2 : i32
    %swap3A_102 = arith.index_cast %swap3A_101 : i32 to index
    %swap3A_103 = arith.constant 32 : index
    %swap3A_104 = tpu.vector_load %arg4[%swap3A_102, %swap3A_103] {strides = array<i32>} : memref<16x128xf32, #tpu.memory_space<vmem>>, vector<1x16xf32>,
    %swap3A_105 = vector.shape_cast %swap3A_104 : vector<1x16xf32> to vector<16xf32>
    %swap3A_106 = vector.shape_cast %get3A_16 : vector<16xf32> to vector<1x16xf32>
    tpu.vector_store %arg4[%swap3A_102, %swap3A_103], %swap3A_106 {strides = array<i32>} : memref<16x128xf32, #tpu.memory_space<vmem>>, vector<1x16xf32>,
    %swap3A_107 = arith.constant 2 : i32
    %swap3A_108 = arith.index_cast %swap3A_107 : i32 to index
    %swap3A_109 = arith.constant 48 : index
    %swap3A_110 = tpu.vector_load %arg4[%swap3A_108, %swap3A_109] {strides = array<i32>} : memref<16x128xf32, #tpu.memory_space<vmem>>, vector<1x16xf32>,
    %swap3A_111 = vector.shape_cast %swap3A_110 : vector<1x16xf32> to vector<16xf32>
    %swap3A_112 = vector.shape_cast %get3A_21 : vector<16xf32> to vector<1x16xf32>
    tpu.vector_store %arg4[%swap3A_108, %swap3A_109], %swap3A_112 {strides = array<i32>} : memref<16x128xf32, #tpu.memory_space<vmem>>, vector<1x16xf32>,
    %swap3A_113 = arith.constant 2 : i32
    %swap3A_114 = arith.index_cast %swap3A_113 : i32 to index
    %swap3A_115 = arith.constant 64 : index
    %swap3A_116 = tpu.vector_load %arg4[%swap3A_114, %swap3A_115] {strides = array<i32>} : memref<16x128xf32, #tpu.memory_space<vmem>>, vector<1x16xf32>,
    %swap3A_117 = vector.shape_cast %swap3A_116 : vector<1x16xf32> to vector<16xf32>
    %swap3A_118 = vector.shape_cast %get3A_26 : vector<16xf32> to vector<1x16xf32>
    tpu.vector_store %arg4[%swap3A_114, %swap3A_115], %swap3A_118 {strides = array<i32>} : memref<16x128xf32, #tpu.memory_space<vmem>>, vector<1x16xf32>,
    %swap3A_119 = arith.constant 2 : i32
    %swap3A_120 = arith.index_cast %swap3A_119 : i32 to index
    %swap3A_121 = arith.constant 80 : index
    %swap3A_122 = tpu.vector_load %arg4[%swap3A_120, %swap3A_121] {strides = array<i32>} : memref<16x128xf32, #tpu.memory_space<vmem>>, vector<1x16xf32>,
    %swap3A_123 = vector.shape_cast %swap3A_122 : vector<1x16xf32> to vector<16xf32>
    %swap3A_124 = vector.shape_cast %get3A_31 : vector<16xf32> to vector<1x16xf32>
    tpu.vector_store %arg4[%swap3A_120, %swap3A_121], %swap3A_124 {strides = array<i32>} : memref<16x128xf32, #tpu.memory_space<vmem>>, vector<1x16xf32>,
    %swap3A_125 = arith.constant 2 : i32
    %swap3A_126 = arith.index_cast %swap3A_125 : i32 to index
    %swap3A_127 = arith.constant 96 : index
    %swap3A_128 = tpu.vector_load %arg4[%swap3A_126, %swap3A_127] {strides = array<i32>} : memref<16x128xf32, #tpu.memory_space<vmem>>, vector<1x16xf32>,
    %swap3A_129 = vector.shape_cast %swap3A_128 : vector<1x16xf32> to vector<16xf32>
    %swap3A_130 = vector.shape_cast %get3A_36 : vector<16xf32> to vector<1x16xf32>
    tpu.vector_store %arg4[%swap3A_126, %swap3A_127], %swap3A_130 {strides = array<i32>} : memref<16x128xf32, #tpu.memory_space<vmem>>, vector<1x16xf32>,
    %swap3A_131 = arith.constant 2 : i32
    %swap3A_132 = arith.index_cast %swap3A_131 : i32 to index
    %swap3A_133 = arith.constant 112 : index
    %swap3A_134 = tpu.vector_load %arg4[%swap3A_132, %swap3A_133] {strides = array<i32>} : memref<16x128xf32, #tpu.memory_space<vmem>>, vector<1x16xf32>,
    %swap3A_135 = vector.shape_cast %swap3A_134 : vector<1x16xf32> to vector<16xf32>
    %swap3A_136 = vector.shape_cast %get3A_41 : vector<16xf32> to vector<1x16xf32>
    tpu.vector_store %arg4[%swap3A_132, %swap3A_133], %swap3A_136 {strides = array<i32>} : memref<16x128xf32, #tpu.memory_space<vmem>>, vector<1x16xf32>,
    %swap3A_137 = arith.constant 3 : i32
    %swap3A_138 = arith.index_cast %swap3A_137 : i32 to index
    %swap3A_139 = arith.constant 0 : index
    %swap3A_140 = tpu.vector_load %arg4[%swap3A_138, %swap3A_139] {strides = array<i32>} : memref<16x128xf32, #tpu.memory_space<vmem>>, vector<1x16xf32>,
    %swap3A_141 = vector.shape_cast %swap3A_140 : vector<1x16xf32> to vector<16xf32>
    %swap3A_142 = vector.shape_cast %get3A_6 : vector<16xf32> to vector<1x16xf32>
    tpu.vector_store %arg4[%swap3A_138, %swap3A_139], %swap3A_142 {strides = array<i32>} : memref<16x128xf32, #tpu.memory_space<vmem>>, vector<1x16xf32>,
    %swap3A_143 = arith.constant 3 : i32
    %swap3A_144 = arith.index_cast %swap3A_143 : i32 to index
    %swap3A_145 = arith.constant 16 : index
    %swap3A_146 = tpu.vector_load %arg4[%swap3A_144, %swap3A_145] {strides = array<i32>} : memref<16x128xf32, #tpu.memory_space<vmem>>, vector<1x16xf32>,
    %swap3A_147 = vector.shape_cast %swap3A_146 : vector<1x16xf32> to vector<16xf32>
    %swap3A_148 = vector.shape_cast %get3A_11 : vector<16xf32> to vector<1x16xf32>
    tpu.vector_store %arg4[%swap3A_144, %swap3A_145], %swap3A_148 {strides = array<i32>} : memref<16x128xf32, #tpu.memory_space<vmem>>, vector<1x16xf32>,
    %swap3A_149 = arith.constant 3 : i32
    %swap3A_150 = arith.index_cast %swap3A_149 : i32 to index
    %swap3A_151 = arith.constant 32 : index
    %swap3A_152 = tpu.vector_load %arg4[%swap3A_150, %swap3A_151] {strides = array<i32>} : memref<16x128xf32, #tpu.memory_space<vmem>>, vector<1x16xf32>,
    %swap3A_153 = vector.shape_cast %swap3A_152 : vector<1x16xf32> to vector<16xf32>
    %swap3A_154 = vector.shape_cast %get3A_16 : vector<16xf32> to vector<1x16xf32>
    tpu.vector_store %arg4[%swap3A_150, %swap3A_151], %swap3A_154 {strides = array<i32>} : memref<16x128xf32, #tpu.memory_space<vmem>>, vector<1x16xf32>,
    %swap3A_155 = arith.constant 3 : i32
    %swap3A_156 = arith.index_cast %swap3A_155 : i32 to index
    %swap3A_157 = arith.constant 48 : index
    %swap3A_158 = tpu.vector_load %arg4[%swap3A_156, %swap3A_157] {strides = array<i32>} : memref<16x128xf32, #tpu.memory_space<vmem>>, vector<1x16xf32>,
    %swap3A_159 = vector.shape_cast %swap3A_158 : vector<1x16xf32> to vector<16xf32>
    %swap3A_160 = vector.shape_cast %get3A_21 : vector<16xf32> to vector<1x16xf32>
    tpu.vector_store %arg4[%swap3A_156, %swap3A_157], %swap3A_160 {strides = array<i32>} : memref<16x128xf32, #tpu.memory_space<vmem>>, vector<1x16xf32>,
    %swap3A_161 = arith.constant 3 : i32
    %swap3A_162 = arith.index_cast %swap3A_161 : i32 to index
    %swap3A_163 = arith.constant 64 : index
    %swap3A_164 = tpu.vector_load %arg4[%swap3A_162, %swap3A_163] {strides = array<i32>} : memref<16x128xf32, #tpu.memory_space<vmem>>, vector<1x16xf32>,
    %swap3A_165 = vector.shape_cast %swap3A_164 : vector<1x16xf32> to vector<16xf32>
    %swap3A_166 = vector.shape_cast %get3A_26 : vector<16xf32> to vector<1x16xf32>
    tpu.vector_store %arg4[%swap3A_162, %swap3A_163], %swap3A_166 {strides = array<i32>} : memref<16x128xf32, #tpu.memory_space<vmem>>, vector<1x16xf32>,
    %swap3A_167 = arith.constant 3 : i32
    %swap3A_168 = arith.index_cast %swap3A_167 : i32 to index
    %swap3A_169 = arith.constant 80 : index
    %swap3A_170 = tpu.vector_load %arg4[%swap3A_168, %swap3A_169] {strides = array<i32>} : memref<16x128xf32, #tpu.memory_space<vmem>>, vector<1x16xf32>,
    %swap3A_171 = vector.shape_cast %swap3A_170 : vector<1x16xf32> to vector<16xf32>
    %swap3A_172 = vector.shape_cast %get3A_31 : vector<16xf32> to vector<1x16xf32>
    tpu.vector_store %arg4[%swap3A_168, %swap3A_169], %swap3A_172 {strides = array<i32>} : memref<16x128xf32, #tpu.memory_space<vmem>>, vector<1x16xf32>,
    %swap3A_173 = arith.constant 3 : i32
    %swap3A_174 = arith.index_cast %swap3A_173 : i32 to index
    %swap3A_175 = arith.constant 96 : index
    %swap3A_176 = tpu.vector_load %arg4[%swap3A_174, %swap3A_175] {strides = array<i32>} : memref<16x128xf32, #tpu.memory_space<vmem>>, vector<1x16xf32>,
    %swap3A_177 = vector.shape_cast %swap3A_176 : vector<1x16xf32> to vector<16xf32>
    %swap3A_178 = vector.shape_cast %get3A_36 : vector<16xf32> to vector<1x16xf32>
    tpu.vector_store %arg4[%swap3A_174, %swap3A_175], %swap3A_178 {strides = array<i32>} : memref<16x128xf32, #tpu.memory_space<vmem>>, vector<1x16xf32>,
    %swap3A_179 = arith.constant 3 : i32
    %swap3A_180 = arith.index_cast %swap3A_179 : i32 to index
    %swap3A_181 = arith.constant 112 : index
    %swap3A_182 = tpu.vector_load %arg4[%swap3A_180, %swap3A_181] {strides = array<i32>} : memref<16x128xf32, #tpu.memory_space<vmem>>, vector<1x16xf32>,
    %swap3A_183 = vector.shape_cast %swap3A_182 : vector<1x16xf32> to vector<16xf32>
    %swap3A_184 = vector.shape_cast %get3A_41 : vector<16xf32> to vector<1x16xf32>
    tpu.vector_store %arg4[%swap3A_180, %swap3A_181], %swap3A_184 {strides = array<i32>} : memref<16x128xf32, #tpu.memory_space<vmem>>, vector<1x16xf32>,
    %swap3A_185 = arith.constant 4 : i32
    %swap3A_186 = arith.index_cast %swap3A_185 : i32 to index
    %swap3A_187 = arith.constant 0 : index
    %swap3A_188 = tpu.vector_load %arg4[%swap3A_186, %swap3A_187] {strides = array<i32>} : memref<16x128xf32, #tpu.memory_space<vmem>>, vector<1x16xf32>,
    %swap3A_189 = vector.shape_cast %swap3A_188 : vector<1x16xf32> to vector<16xf32>
    %swap3A_190 = vector.shape_cast %get3A_6 : vector<16xf32> to vector<1x16xf32>
    tpu.vector_store %arg4[%swap3A_186, %swap3A_187], %swap3A_190 {strides = array<i32>} : memref<16x128xf32, #tpu.memory_space<vmem>>, vector<1x16xf32>,
    %swap3A_191 = arith.constant 4 : i32
    %swap3A_192 = arith.index_cast %swap3A_191 : i32 to index
    %swap3A_193 = arith.constant 16 : index
    %swap3A_194 = tpu.vector_load %arg4[%swap3A_192, %swap3A_193] {strides = array<i32>} : memref<16x128xf32, #tpu.memory_space<vmem>>, vector<1x16xf32>,
    %swap3A_195 = vector.shape_cast %swap3A_194 : vector<1x16xf32> to vector<16xf32>
    %swap3A_196 = vector.shape_cast %get3A_11 : vector<16xf32> to vector<1x16xf32>
    tpu.vector_store %arg4[%swap3A_192, %swap3A_193], %swap3A_196 {strides = array<i32>} : memref<16x128xf32, #tpu.memory_space<vmem>>, vector<1x16xf32>,
    %swap3A_197 = arith.constant 4 : i32
    %swap3A_198 = arith.index_cast %swap3A_197 : i32 to index
    %swap3A_199 = arith.constant 32 : index
    %swap3A_200 = tpu.vector_load %arg4[%swap3A_198, %swap3A_199] {strides = array<i32>} : memref<16x128xf32, #tpu.memory_space<vmem>>, vector<1x16xf32>,
    %swap3A_201 = vector.shape_cast %swap3A_200 : vector<1x16xf32> to vector<16xf32>
    %swap3A_202 = vector.shape_cast %get3A_16 : vector<16xf32> to vector<1x16xf32>
    tpu.vector_store %arg4[%swap3A_198, %swap3A_199], %swap3A_202 {strides = array<i32>} : memref<16x128xf32, #tpu.memory_space<vmem>>, vector<1x16xf32>,
    %swap3A_203 = arith.constant 4 : i32
    %swap3A_204 = arith.index_cast %swap3A_203 : i32 to index
    %swap3A_205 = arith.constant 48 : index
    %swap3A_206 = tpu.vector_load %arg4[%swap3A_204, %swap3A_205] {strides = array<i32>} : memref<16x128xf32, #tpu.memory_space<vmem>>, vector<1x16xf32>,
    %swap3A_207 = vector.shape_cast %swap3A_206 : vector<1x16xf32> to vector<16xf32>
    %swap3A_208 = vector.shape_cast %get3A_21 : vector<16xf32> to vector<1x16xf32>
    tpu.vector_store %arg4[%swap3A_204, %swap3A_205], %swap3A_208 {strides = array<i32>} : memref<16x128xf32, #tpu.memory_space<vmem>>, vector<1x16xf32>,
    %swap3A_209 = arith.constant 4 : i32
    %swap3A_210 = arith.index_cast %swap3A_209 : i32 to index
    %swap3A_211 = arith.constant 64 : index
    %swap3A_212 = tpu.vector_load %arg4[%swap3A_210, %swap3A_211] {strides = array<i32>} : memref<16x128xf32, #tpu.memory_space<vmem>>, vector<1x16xf32>,
    %swap3A_213 = vector.shape_cast %swap3A_212 : vector<1x16xf32> to vector<16xf32>
    %swap3A_214 = vector.shape_cast %get3A_26 : vector<16xf32> to vector<1x16xf32>
    tpu.vector_store %arg4[%swap3A_210, %swap3A_211], %swap3A_214 {strides = array<i32>} : memref<16x128xf32, #tpu.memory_space<vmem>>, vector<1x16xf32>,
    %swap3A_215 = arith.constant 4 : i32
    %swap3A_216 = arith.index_cast %swap3A_215 : i32 to index
    %swap3A_217 = arith.constant 80 : index
    %swap3A_218 = tpu.vector_load %arg4[%swap3A_216, %swap3A_217] {strides = array<i32>} : memref<16x128xf32, #tpu.memory_space<vmem>>, vector<1x16xf32>,
    %swap3A_219 = vector.shape_cast %swap3A_218 : vector<1x16xf32> to vector<16xf32>
    %swap3A_220 = vector.shape_cast %get3A_31 : vector<16xf32> to vector<1x16xf32>
    tpu.vector_store %arg4[%swap3A_216, %swap3A_217], %swap3A_220 {strides = array<i32>} : memref<16x128xf32, #tpu.memory_space<vmem>>, vector<1x16xf32>,
    %swap3A_221 = arith.constant 4 : i32
    %swap3A_222 = arith.index_cast %swap3A_221 : i32 to index
    %swap3A_223 = arith.constant 96 : index
    %swap3A_224 = tpu.vector_load %arg4[%swap3A_222, %swap3A_223] {strides = array<i32>} : memref<16x128xf32, #tpu.memory_space<vmem>>, vector<1x16xf32>,
    %swap3A_225 = vector.shape_cast %swap3A_224 : vector<1x16xf32> to vector<16xf32>
    %swap3A_226 = vector.shape_cast %get3A_36 : vector<16xf32> to vector<1x16xf32>
    tpu.vector_store %arg4[%swap3A_222, %swap3A_223], %swap3A_226 {strides = array<i32>} : memref<16x128xf32, #tpu.memory_space<vmem>>, vector<1x16xf32>,
    %swap3A_227 = arith.constant 4 : i32
    %swap3A_228 = arith.index_cast %swap3A_227 : i32 to index
    %swap3A_229 = arith.constant 112 : index
    %swap3A_230 = tpu.vector_load %arg4[%swap3A_228, %swap3A_229] {strides = array<i32>} : memref<16x128xf32, #tpu.memory_space<vmem>>, vector<1x16xf32>,
    %swap3A_231 = vector.shape_cast %swap3A_230 : vector<1x16xf32> to vector<16xf32>
    %swap3A_232 = vector.shape_cast %get3A_41 : vector<16xf32> to vector<1x16xf32>
    tpu.vector_store %arg4[%swap3A_228, %swap3A_229], %swap3A_232 {strides = array<i32>} : memref<16x128xf32, #tpu.memory_space<vmem>>, vector<1x16xf32>,
    %swap3A_233 = arith.constant 5 : i32
    %swap3A_234 = arith.index_cast %swap3A_233 : i32 to index
    %swap3A_235 = arith.constant 0 : index
    %swap3A_236 = tpu.vector_load %arg4[%swap3A_234, %swap3A_235] {strides = array<i32>} : memref<16x128xf32, #tpu.memory_space<vmem>>, vector<1x16xf32>,
    %swap3A_237 = vector.shape_cast %swap3A_236 : vector<1x16xf32> to vector<16xf32>
    %swap3A_238 = vector.shape_cast %get3A_6 : vector<16xf32> to vector<1x16xf32>
    tpu.vector_store %arg4[%swap3A_234, %swap3A_235], %swap3A_238 {strides = array<i32>} : memref<16x128xf32, #tpu.memory_space<vmem>>, vector<1x16xf32>,
    %swap3A_239 = arith.constant 5 : i32
    %swap3A_240 = arith.index_cast %swap3A_239 : i32 to index
    %swap3A_241 = arith.constant 16 : index
    %swap3A_242 = tpu.vector_load %arg4[%swap3A_240, %swap3A_241] {strides = array<i32>} : memref<16x128xf32, #tpu.memory_space<vmem>>, vector<1x16xf32>,
    %swap3A_243 = vector.shape_cast %swap3A_242 : vector<1x16xf32> to vector<16xf32>
    %swap3A_244 = vector.shape_cast %get3A_11 : vector<16xf32> to vector<1x16xf32>
    tpu.vector_store %arg4[%swap3A_240, %swap3A_241], %swap3A_244 {strides = array<i32>} : memref<16x128xf32, #tpu.memory_space<vmem>>, vector<1x16xf32>,
    %swap3A_245 = arith.constant 5 : i32
    %swap3A_246 = arith.index_cast %swap3A_245 : i32 to index
    %swap3A_247 = arith.constant 32 : index
    %swap3A_248 = tpu.vector_load %arg4[%swap3A_246, %swap3A_247] {strides = array<i32>} : memref<16x128xf32, #tpu.memory_space<vmem>>, vector<1x16xf32>,
    %swap3A_249 = vector.shape_cast %swap3A_248 : vector<1x16xf32> to vector<16xf32>
    %swap3A_250 = vector.shape_cast %get3A_16 : vector<16xf32> to vector<1x16xf32>
    tpu.vector_store %arg4[%swap3A_246, %swap3A_247], %swap3A_250 {strides = array<i32>} : memref<16x128xf32, #tpu.memory_space<vmem>>, vector<1x16xf32>,
    %swap3A_251 = arith.constant 5 : i32
    %swap3A_252 = arith.index_cast %swap3A_251 : i32 to index
    %swap3A_253 = arith.constant 48 : index
    %swap3A_254 = tpu.vector_load %arg4[%swap3A_252, %swap3A_253] {strides = array<i32>} : memref<16x128xf32, #tpu.memory_space<vmem>>, vector<1x16xf32>,
    %swap3A_255 = vector.shape_cast %swap3A_254 : vector<1x16xf32> to vector<16xf32>
    %swap3A_256 = vector.shape_cast %get3A_21 : vector<16xf32> to vector<1x16xf32>
    tpu.vector_store %arg4[%swap3A_252, %swap3A_253], %swap3A_256 {strides = array<i32>} : memref<16x128xf32, #tpu.memory_space<vmem>>, vector<1x16xf32>,
    %swap3A_257 = arith.constant 5 : i32
    %swap3A_258 = arith.index_cast %swap3A_257 : i32 to index
    %swap3A_259 = arith.constant 64 : index
    %swap3A_260 = tpu.vector_load %arg4[%swap3A_258, %swap3A_259] {strides = array<i32>} : memref<16x128xf32, #tpu.memory_space<vmem>>, vector<1x16xf32>,
    %swap3A_261 = vector.shape_cast %swap3A_260 : vector<1x16xf32> to vector<16xf32>
    %swap3A_262 = vector.shape_cast %get3A_26 : vector<16xf32> to vector<1x16xf32>
    tpu.vector_store %arg4[%swap3A_258, %swap3A_259], %swap3A_262 {strides = array<i32>} : memref<16x128xf32, #tpu.memory_space<vmem>>, vector<1x16xf32>,
    %swap3A_263 = arith.constant 5 : i32
    %swap3A_264 = arith.index_cast %swap3A_263 : i32 to index
    %swap3A_265 = arith.constant 80 : index
    %swap3A_266 = tpu.vector_load %arg4[%swap3A_264, %swap3A_265] {strides = array<i32>} : memref<16x128xf32, #tpu.memory_space<vmem>>, vector<1x16xf32>,
    %swap3A_267 = vector.shape_cast %swap3A_266 : vector<1x16xf32> to vector<16xf32>
    %swap3A_268 = vector.shape_cast %get3A_31 : vector<16xf32> to vector<1x16xf32>
    tpu.vector_store %arg4[%swap3A_264, %swap3A_265], %swap3A_268 {strides = array<i32>} : memref<16x128xf32, #tpu.memory_space<vmem>>, vector<1x16xf32>,
    %swap3A_269 = arith.constant 5 : i32
    %swap3A_270 = arith.index_cast %swap3A_269 : i32 to index
    %swap3A_271 = arith.constant 96 : index
    %swap3A_272 = tpu.vector_load %arg4[%swap3A_270, %swap3A_271] {strides = array<i32>} : memref<16x128xf32, #tpu.memory_space<vmem>>, vector<1x16xf32>,
    %swap3A_273 = vector.shape_cast %swap3A_272 : vector<1x16xf32> to vector<16xf32>
    %swap3A_274 = vector.shape_cast %get3A_36 : vector<16xf32> to vector<1x16xf32>
    tpu.vector_store %arg4[%swap3A_270, %swap3A_271], %swap3A_274 {strides = array<i32>} : memref<16x128xf32, #tpu.memory_space<vmem>>, vector<1x16xf32>,
    %swap3A_275 = arith.constant 5 : i32
    %swap3A_276 = arith.index_cast %swap3A_275 : i32 to index
    %swap3A_277 = arith.constant 112 : index
    %swap3A_278 = tpu.vector_load %arg4[%swap3A_276, %swap3A_277] {strides = array<i32>} : memref<16x128xf32, #tpu.memory_space<vmem>>, vector<1x16xf32>,
    %swap3A_279 = vector.shape_cast %swap3A_278 : vector<1x16xf32> to vector<16xf32>
    %swap3A_280 = vector.shape_cast %get3A_41 : vector<16xf32> to vector<1x16xf32>
    tpu.vector_store %arg4[%swap3A_276, %swap3A_277], %swap3A_280 {strides = array<i32>} : memref<16x128xf32, #tpu.memory_space<vmem>>, vector<1x16xf32>,
    %swap3A_281 = arith.constant 6 : i32
    %swap3A_282 = arith.index_cast %swap3A_281 : i32 to index
    %swap3A_283 = arith.constant 0 : index
    %swap3A_284 = tpu.vector_load %arg4[%swap3A_282, %swap3A_283] {strides = array<i32>} : memref<16x128xf32, #tpu.memory_space<vmem>>, vector<1x16xf32>,
    %swap3A_285 = vector.shape_cast %swap3A_284 : vector<1x16xf32> to vector<16xf32>
    %swap3A_286 = vector.shape_cast %get3A_6 : vector<16xf32> to vector<1x16xf32>
    tpu.vector_store %arg4[%swap3A_282, %swap3A_283], %swap3A_286 {strides = array<i32>} : memref<16x128xf32, #tpu.memory_space<vmem>>, vector<1x16xf32>,
    %swap3A_287 = arith.constant 6 : i32
    %swap3A_288 = arith.index_cast %swap3A_287 : i32 to index
    %swap3A_289 = arith.constant 16 : index
    %swap3A_290 = tpu.vector_load %arg4[%swap3A_288, %swap3A_289] {strides = array<i32>} : memref<16x128xf32, #tpu.memory_space<vmem>>, vector<1x16xf32>,
    %swap3A_291 = vector.shape_cast %swap3A_290 : vector<1x16xf32> to vector<16xf32>
    %swap3A_292 = vector.shape_cast %get3A_11 : vector<16xf32> to vector<1x16xf32>
    tpu.vector_store %arg4[%swap3A_288, %swap3A_289], %swap3A_292 {strides = array<i32>} : memref<16x128xf32, #tpu.memory_space<vmem>>, vector<1x16xf32>,
    %swap3A_293 = arith.constant 6 : i32
    %swap3A_294 = arith.index_cast %swap3A_293 : i32 to index
    %swap3A_295 = arith.constant 32 : index
    %swap3A_296 = tpu.vector_load %arg4[%swap3A_294, %swap3A_295] {strides = array<i32>} : memref<16x128xf32, #tpu.memory_space<vmem>>, vector<1x16xf32>,
    %swap3A_297 = vector.shape_cast %swap3A_296 : vector<1x16xf32> to vector<16xf32>
    %swap3A_298 = vector.shape_cast %get3A_16 : vector<16xf32> to vector<1x16xf32>
    tpu.vector_store %arg4[%swap3A_294, %swap3A_295], %swap3A_298 {strides = array<i32>} : memref<16x128xf32, #tpu.memory_space<vmem>>, vector<1x16xf32>,
    %swap3A_299 = arith.constant 6 : i32
    %swap3A_300 = arith.index_cast %swap3A_299 : i32 to index
    %swap3A_301 = arith.constant 48 : index
    %swap3A_302 = tpu.vector_load %arg4[%swap3A_300, %swap3A_301] {strides = array<i32>} : memref<16x128xf32, #tpu.memory_space<vmem>>, vector<1x16xf32>,
    %swap3A_303 = vector.shape_cast %swap3A_302 : vector<1x16xf32> to vector<16xf32>
    %swap3A_304 = vector.shape_cast %get3A_21 : vector<16xf32> to vector<1x16xf32>
    tpu.vector_store %arg4[%swap3A_300, %swap3A_301], %swap3A_304 {strides = array<i32>} : memref<16x128xf32, #tpu.memory_space<vmem>>, vector<1x16xf32>,
    %swap3A_305 = arith.constant 6 : i32
    %swap3A_306 = arith.index_cast %swap3A_305 : i32 to index
    %swap3A_307 = arith.constant 64 : index
    %swap3A_308 = tpu.vector_load %arg4[%swap3A_306, %swap3A_307] {strides = array<i32>} : memref<16x128xf32, #tpu.memory_space<vmem>>, vector<1x16xf32>,
    %swap3A_309 = vector.shape_cast %swap3A_308 : vector<1x16xf32> to vector<16xf32>
    %swap3A_310 = vector.shape_cast %get3A_26 : vector<16xf32> to vector<1x16xf32>
    tpu.vector_store %arg4[%swap3A_306, %swap3A_307], %swap3A_310 {strides = array<i32>} : memref<16x128xf32, #tpu.memory_space<vmem>>, vector<1x16xf32>,
    %swap3A_311 = arith.constant 6 : i32
    %swap3A_312 = arith.index_cast %swap3A_311 : i32 to index
    %swap3A_313 = arith.constant 80 : index
    %swap3A_314 = tpu.vector_load %arg4[%swap3A_312, %swap3A_313] {strides = array<i32>} : memref<16x128xf32, #tpu.memory_space<vmem>>, vector<1x16xf32>,
    %swap3A_315 = vector.shape_cast %swap3A_314 : vector<1x16xf32> to vector<16xf32>
    %swap3A_316 = vector.shape_cast %get3A_31 : vector<16xf32> to vector<1x16xf32>
    tpu.vector_store %arg4[%swap3A_312, %swap3A_313], %swap3A_316 {strides = array<i32>} : memref<16x128xf32, #tpu.memory_space<vmem>>, vector<1x16xf32>,
    %swap3A_317 = arith.constant 6 : i32
    %swap3A_318 = arith.index_cast %swap3A_317 : i32 to index
    %swap3A_319 = arith.constant 96 : index
    %swap3A_320 = tpu.vector_load %arg4[%swap3A_318, %swap3A_319] {strides = array<i32>} : memref<16x128xf32, #tpu.memory_space<vmem>>, vector<1x16xf32>,
    %swap3A_321 = vector.shape_cast %swap3A_320 : vector<1x16xf32> to vector<16xf32>
    %swap3A_322 = vector.shape_cast %get3A_36 : vector<16xf32> to vector<1x16xf32>
    tpu.vector_store %arg4[%swap3A_318, %swap3A_319], %swap3A_322 {strides = array<i32>} : memref<16x128xf32, #tpu.memory_space<vmem>>, vector<1x16xf32>,
    %swap3A_323 = arith.constant 6 : i32
    %swap3A_324 = arith.index_cast %swap3A_323 : i32 to index
    %swap3A_325 = arith.constant 112 : index
    %swap3A_326 = tpu.vector_load %arg4[%swap3A_324, %swap3A_325] {strides = array<i32>} : memref<16x128xf32, #tpu.memory_space<vmem>>, vector<1x16xf32>,
    %swap3A_327 = vector.shape_cast %swap3A_326 : vector<1x16xf32> to vector<16xf32>
    %swap3A_328 = vector.shape_cast %get3A_41 : vector<16xf32> to vector<1x16xf32>
    tpu.vector_store %arg4[%swap3A_324, %swap3A_325], %swap3A_328 {strides = array<i32>} : memref<16x128xf32, #tpu.memory_space<vmem>>, vector<1x16xf32>,
    %swap3A_329 = arith.constant 7 : i32
    %swap3A_330 = arith.index_cast %swap3A_329 : i32 to index
    %swap3A_331 = arith.constant 0 : index
    %swap3A_332 = tpu.vector_load %arg4[%swap3A_330, %swap3A_331] {strides = array<i32>} : memref<16x128xf32, #tpu.memory_space<vmem>>, vector<1x16xf32>,
    %swap3A_333 = vector.shape_cast %swap3A_332 : vector<1x16xf32> to vector<16xf32>
    %swap3A_334 = vector.shape_cast %get3A_6 : vector<16xf32> to vector<1x16xf32>
    tpu.vector_store %arg4[%swap3A_330, %swap3A_331], %swap3A_334 {strides = array<i32>} : memref<16x128xf32, #tpu.memory_space<vmem>>, vector<1x16xf32>,
    %swap3A_335 = arith.constant 7 : i32
    %swap3A_336 = arith.index_cast %swap3A_335 : i32 to index
    %swap3A_337 = arith.constant 16 : index
    %swap3A_338 = tpu.vector_load %arg4[%swap3A_336, %swap3A_337] {strides = array<i32>} : memref<16x128xf32, #tpu.memory_space<vmem>>, vector<1x16xf32>,
    %swap3A_339 = vector.shape_cast %swap3A_338 : vector<1x16xf32> to vector<16xf32>
    %swap3A_340 = vector.shape_cast %get3A_11 : vector<16xf32> to vector<1x16xf32>
    tpu.vector_store %arg4[%swap3A_336, %swap3A_337], %swap3A_340 {strides = array<i32>} : memref<16x128xf32, #tpu.memory_space<vmem>>, vector<1x16xf32>,
    %swap3A_341 = arith.constant 7 : i32
    %swap3A_342 = arith.index_cast %swap3A_341 : i32 to index
    %swap3A_343 = arith.constant 32 : index
    %swap3A_344 = tpu.vector_load %arg4[%swap3A_342, %swap3A_343] {strides = array<i32>} : memref<16x128xf32, #tpu.memory_space<vmem>>, vector<1x16xf32>,
    %swap3A_345 = vector.shape_cast %swap3A_344 : vector<1x16xf32> to vector<16xf32>
    %swap3A_346 = vector.shape_cast %get3A_16 : vector<16xf32> to vector<1x16xf32>
    tpu.vector_store %arg4[%swap3A_342, %swap3A_343], %swap3A_346 {strides = array<i32>} : memref<16x128xf32, #tpu.memory_space<vmem>>, vector<1x16xf32>,
    %swap3A_347 = arith.constant 7 : i32
    %swap3A_348 = arith.index_cast %swap3A_347 : i32 to index
    %swap3A_349 = arith.constant 48 : index
    %swap3A_350 = tpu.vector_load %arg4[%swap3A_348, %swap3A_349] {strides = array<i32>} : memref<16x128xf32, #tpu.memory_space<vmem>>, vector<1x16xf32>,
    %swap3A_351 = vector.shape_cast %swap3A_350 : vector<1x16xf32> to vector<16xf32>
    %swap3A_352 = vector.shape_cast %get3A_21 : vector<16xf32> to vector<1x16xf32>
    tpu.vector_store %arg4[%swap3A_348, %swap3A_349], %swap3A_352 {strides = array<i32>} : memref<16x128xf32, #tpu.memory_space<vmem>>, vector<1x16xf32>,
    %swap3A_353 = arith.constant 7 : i32
    %swap3A_354 = arith.index_cast %swap3A_353 : i32 to index
    %swap3A_355 = arith.constant 64 : index
    %swap3A_356 = tpu.vector_load %arg4[%swap3A_354, %swap3A_355] {strides = array<i32>} : memref<16x128xf32, #tpu.memory_space<vmem>>, vector<1x16xf32>,
    %swap3A_357 = vector.shape_cast %swap3A_356 : vector<1x16xf32> to vector<16xf32>
    %swap3A_358 = vector.shape_cast %get3A_26 : vector<16xf32> to vector<1x16xf32>
    tpu.vector_store %arg4[%swap3A_354, %swap3A_355], %swap3A_358 {strides = array<i32>} : memref<16x128xf32, #tpu.memory_space<vmem>>, vector<1x16xf32>,
    %swap3A_359 = arith.constant 7 : i32
    %swap3A_360 = arith.index_cast %swap3A_359 : i32 to index
    %swap3A_361 = arith.constant 80 : index
    %swap3A_362 = tpu.vector_load %arg4[%swap3A_360, %swap3A_361] {strides = array<i32>} : memref<16x128xf32, #tpu.memory_space<vmem>>, vector<1x16xf32>,
    %swap3A_363 = vector.shape_cast %swap3A_362 : vector<1x16xf32> to vector<16xf32>
    %swap3A_364 = vector.shape_cast %get3A_31 : vector<16xf32> to vector<1x16xf32>
    tpu.vector_store %arg4[%swap3A_360, %swap3A_361], %swap3A_364 {strides = array<i32>} : memref<16x128xf32, #tpu.memory_space<vmem>>, vector<1x16xf32>,
    %swap3A_365 = arith.constant 7 : i32
    %swap3A_366 = arith.index_cast %swap3A_365 : i32 to index
    %swap3A_367 = arith.constant 96 : index
    %swap3A_368 = tpu.vector_load %arg4[%swap3A_366, %swap3A_367] {strides = array<i32>} : memref<16x128xf32, #tpu.memory_space<vmem>>, vector<1x16xf32>,
    %swap3A_369 = vector.shape_cast %swap3A_368 : vector<1x16xf32> to vector<16xf32>
    %swap3A_370 = vector.shape_cast %get3A_36 : vector<16xf32> to vector<1x16xf32>
    tpu.vector_store %arg4[%swap3A_366, %swap3A_367], %swap3A_370 {strides = array<i32>} : memref<16x128xf32, #tpu.memory_space<vmem>>, vector<1x16xf32>,
    %swap3A_371 = arith.constant 7 : i32
    %swap3A_372 = arith.index_cast %swap3A_371 : i32 to index
    %swap3A_373 = arith.constant 112 : index
    %swap3A_374 = tpu.vector_load %arg4[%swap3A_372, %swap3A_373] {strides = array<i32>} : memref<16x128xf32, #tpu.memory_space<vmem>>, vector<1x16xf32>,
    %swap3A_375 = vector.shape_cast %swap3A_374 : vector<1x16xf32> to vector<16xf32>
    %swap3A_376 = vector.shape_cast %get3A_41 : vector<16xf32> to vector<1x16xf32>
    tpu.vector_store %arg4[%swap3A_372, %swap3A_373], %swap3A_376 {strides = array<i32>} : memref<16x128xf32, #tpu.memory_space<vmem>>, vector<1x16xf32>,
    %swap3A_377 = arith.constant 8 : i32
    %swap3A_378 = arith.index_cast %swap3A_377 : i32 to index
    %swap3A_379 = arith.constant 0 : index
    %swap3A_380 = tpu.vector_load %arg4[%swap3A_378, %swap3A_379] {strides = array<i32>} : memref<16x128xf32, #tpu.memory_space<vmem>>, vector<1x16xf32>,
    %swap3A_381 = vector.shape_cast %swap3A_380 : vector<1x16xf32> to vector<16xf32>
    %swap3A_382 = vector.shape_cast %get3A_6 : vector<16xf32> to vector<1x16xf32>
    tpu.vector_store %arg4[%swap3A_378, %swap3A_379], %swap3A_382 {strides = array<i32>} : memref<16x128xf32, #tpu.memory_space<vmem>>, vector<1x16xf32>,
    %swap3A_383 = arith.constant 8 : i32
    %swap3A_384 = arith.index_cast %swap3A_383 : i32 to index
    %swap3A_385 = arith.constant 16 : index
    %swap3A_386 = tpu.vector_load %arg4[%swap3A_384, %swap3A_385] {strides = array<i32>} : memref<16x128xf32, #tpu.memory_space<vmem>>, vector<1x16xf32>,
    %swap3A_387 = vector.shape_cast %swap3A_386 : vector<1x16xf32> to vector<16xf32>
    %swap3A_388 = vector.shape_cast %get3A_11 : vector<16xf32> to vector<1x16xf32>
    tpu.vector_store %arg4[%swap3A_384, %swap3A_385], %swap3A_388 {strides = array<i32>} : memref<16x128xf32, #tpu.memory_space<vmem>>, vector<1x16xf32>,
    %swap3A_389 = arith.constant 8 : i32
    %swap3A_390 = arith.index_cast %swap3A_389 : i32 to index
    %swap3A_391 = arith.constant 32 : index
    %swap3A_392 = tpu.vector_load %arg4[%swap3A_390, %swap3A_391] {strides = array<i32>} : memref<16x128xf32, #tpu.memory_space<vmem>>, vector<1x16xf32>,
    %swap3A_393 = vector.shape_cast %swap3A_392 : vector<1x16xf32> to vector<16xf32>
    %swap3A_394 = vector.shape_cast %get3A_16 : vector<16xf32> to vector<1x16xf32>
    tpu.vector_store %arg4[%swap3A_390, %swap3A_391], %swap3A_394 {strides = array<i32>} : memref<16x128xf32, #tpu.memory_space<vmem>>, vector<1x16xf32>,
    %swap3A_395 = arith.constant 8 : i32
    %swap3A_396 = arith.index_cast %swap3A_395 : i32 to index
    %swap3A_397 = arith.constant 48 : index
    %swap3A_398 = tpu.vector_load %arg4[%swap3A_396, %swap3A_397] {strides = array<i32>} : memref<16x128xf32, #tpu.memory_space<vmem>>, vector<1x16xf32>,
    %swap3A_399 = vector.shape_cast %swap3A_398 : vector<1x16xf32> to vector<16xf32>
    %swap3A_400 = vector.shape_cast %get3A_21 : vector<16xf32> to vector<1x16xf32>
    tpu.vector_store %arg4[%swap3A_396, %swap3A_397], %swap3A_400 {strides = array<i32>} : memref<16x128xf32, #tpu.memory_space<vmem>>, vector<1x16xf32>,
    %swap3A_401 = arith.constant 8 : i32
    %swap3A_402 = arith.index_cast %swap3A_401 : i32 to index
    %swap3A_403 = arith.constant 64 : index
    %swap3A_404 = tpu.vector_load %arg4[%swap3A_402, %swap3A_403] {strides = array<i32>} : memref<16x128xf32, #tpu.memory_space<vmem>>, vector<1x16xf32>,
    %swap3A_405 = vector.shape_cast %swap3A_404 : vector<1x16xf32> to vector<16xf32>
    %swap3A_406 = vector.shape_cast %get3A_26 : vector<16xf32> to vector<1x16xf32>
    tpu.vector_store %arg4[%swap3A_402, %swap3A_403], %swap3A_406 {strides = array<i32>} : memref<16x128xf32, #tpu.memory_space<vmem>>, vector<1x16xf32>,
    %swap3A_407 = arith.constant 8 : i32
    %swap3A_408 = arith.index_cast %swap3A_407 : i32 to index
    %swap3A_409 = arith.constant 80 : index
    %swap3A_410 = tpu.vector_load %arg4[%swap3A_408, %swap3A_409] {strides = array<i32>} : memref<16x128xf32, #tpu.memory_space<vmem>>, vector<1x16xf32>,
    %swap3A_411 = vector.shape_cast %swap3A_410 : vector<1x16xf32> to vector<16xf32>
    %swap3A_412 = vector.shape_cast %get3A_31 : vector<16xf32> to vector<1x16xf32>
    tpu.vector_store %arg4[%swap3A_408, %swap3A_409], %swap3A_412 {strides = array<i32>} : memref<16x128xf32, #tpu.memory_space<vmem>>, vector<1x16xf32>,
    %swap3A_413 = arith.constant 8 : i32
    %swap3A_414 = arith.index_cast %swap3A_413 : i32 to index
    %swap3A_415 = arith.constant 96 : index
    %swap3A_416 = tpu.vector_load %arg4[%swap3A_414, %swap3A_415] {strides = array<i32>} : memref<16x128xf32, #tpu.memory_space<vmem>>, vector<1x16xf32>,
    %swap3A_417 = vector.shape_cast %swap3A_416 : vector<1x16xf32> to vector<16xf32>
    %swap3A_418 = vector.shape_cast %get3A_36 : vector<16xf32> to vector<1x16xf32>
    tpu.vector_store %arg4[%swap3A_414, %swap3A_415], %swap3A_418 {strides = array<i32>} : memref<16x128xf32, #tpu.memory_space<vmem>>, vector<1x16xf32>,
    %swap3A_419 = arith.constant 8 : i32
    %swap3A_420 = arith.index_cast %swap3A_419 : i32 to index
    %swap3A_421 = arith.constant 112 : index
    %swap3A_422 = tpu.vector_load %arg4[%swap3A_420, %swap3A_421] {strides = array<i32>} : memref<16x128xf32, #tpu.memory_space<vmem>>, vector<1x16xf32>,
    %swap3A_423 = vector.shape_cast %swap3A_422 : vector<1x16xf32> to vector<16xf32>
    %swap3A_424 = vector.shape_cast %get3A_41 : vector<16xf32> to vector<1x16xf32>
    tpu.vector_store %arg4[%swap3A_420, %swap3A_421], %swap3A_424 {strides = array<i32>} : memref<16x128xf32, #tpu.memory_space<vmem>>, vector<1x16xf32>,
    %swap3A_425 = arith.constant 9 : i32
    %swap3A_426 = arith.index_cast %swap3A_425 : i32 to index
    %swap3A_427 = arith.constant 0 : index
    %swap3A_428 = tpu.vector_load %arg4[%swap3A_426, %swap3A_427] {strides = array<i32>} : memref<16x128xf32, #tpu.memory_space<vmem>>, vector<1x16xf32>,
    %swap3A_429 = vector.shape_cast %swap3A_428 : vector<1x16xf32> to vector<16xf32>
    %swap3A_430 = vector.shape_cast %get3A_6 : vector<16xf32> to vector<1x16xf32>
    tpu.vector_store %arg4[%swap3A_426, %swap3A_427], %swap3A_430 {strides = array<i32>} : memref<16x128xf32, #tpu.memory_space<vmem>>, vector<1x16xf32>,
    %swap3A_431 = arith.constant 9 : i32
    %swap3A_432 = arith.index_cast %swap3A_431 : i32 to index
    %swap3A_433 = arith.constant 16 : index
    %swap3A_434 = tpu.vector_load %arg4[%swap3A_432, %swap3A_433] {strides = array<i32>} : memref<16x128xf32, #tpu.memory_space<vmem>>, vector<1x16xf32>,
    %swap3A_435 = vector.shape_cast %swap3A_434 : vector<1x16xf32> to vector<16xf32>
    %swap3A_436 = vector.shape_cast %get3A_11 : vector<16xf32> to vector<1x16xf32>
    tpu.vector_store %arg4[%swap3A_432, %swap3A_433], %swap3A_436 {strides = array<i32>} : memref<16x128xf32, #tpu.memory_space<vmem>>, vector<1x16xf32>,
    %swap3A_437 = arith.constant 9 : i32
    %swap3A_438 = arith.index_cast %swap3A_437 : i32 to index
    %swap3A_439 = arith.constant 32 : index
    %swap3A_440 = tpu.vector_load %arg4[%swap3A_438, %swap3A_439] {strides = array<i32>} : memref<16x128xf32, #tpu.memory_space<vmem>>, vector<1x16xf32>,
    %swap3A_441 = vector.shape_cast %swap3A_440 : vector<1x16xf32> to vector<16xf32>
    %swap3A_442 = vector.shape_cast %get3A_16 : vector<16xf32> to vector<1x16xf32>
    tpu.vector_store %arg4[%swap3A_438, %swap3A_439], %swap3A_442 {strides = array<i32>} : memref<16x128xf32, #tpu.memory_space<vmem>>, vector<1x16xf32>,
    %swap3A_443 = arith.constant 9 : i32
    %swap3A_444 = arith.index_cast %swap3A_443 : i32 to index
    %swap3A_445 = arith.constant 48 : index
    %swap3A_446 = tpu.vector_load %arg4[%swap3A_444, %swap3A_445] {strides = array<i32>} : memref<16x128xf32, #tpu.memory_space<vmem>>, vector<1x16xf32>,
    %swap3A_447 = vector.shape_cast %swap3A_446 : vector<1x16xf32> to vector<16xf32>
    %swap3A_448 = vector.shape_cast %get3A_21 : vector<16xf32> to vector<1x16xf32>
    tpu.vector_store %arg4[%swap3A_444, %swap3A_445], %swap3A_448 {strides = array<i32>} : memref<16x128xf32, #tpu.memory_space<vmem>>, vector<1x16xf32>,
    %swap3A_449 = arith.constant 9 : i32
    %swap3A_450 = arith.index_cast %swap3A_449 : i32 to index
    %swap3A_451 = arith.constant 64 : index
    %swap3A_452 = tpu.vector_load %arg4[%swap3A_450, %swap3A_451] {strides = array<i32>} : memref<16x128xf32, #tpu.memory_space<vmem>>, vector<1x16xf32>,
    %swap3A_453 = vector.shape_cast %swap3A_452 : vector<1x16xf32> to vector<16xf32>
    %swap3A_454 = vector.shape_cast %get3A_26 : vector<16xf32> to vector<1x16xf32>
    tpu.vector_store %arg4[%swap3A_450, %swap3A_451], %swap3A_454 {strides = array<i32>} : memref<16x128xf32, #tpu.memory_space<vmem>>, vector<1x16xf32>,
    %swap3A_455 = arith.constant 9 : i32
    %swap3A_456 = arith.index_cast %swap3A_455 : i32 to index
    %swap3A_457 = arith.constant 80 : index
    %swap3A_458 = tpu.vector_load %arg4[%swap3A_456, %swap3A_457] {strides = array<i32>} : memref<16x128xf32, #tpu.memory_space<vmem>>, vector<1x16xf32>,
    %swap3A_459 = vector.shape_cast %swap3A_458 : vector<1x16xf32> to vector<16xf32>
    %swap3A_460 = vector.shape_cast %get3A_31 : vector<16xf32> to vector<1x16xf32>
    tpu.vector_store %arg4[%swap3A_456, %swap3A_457], %swap3A_460 {strides = array<i32>} : memref<16x128xf32, #tpu.memory_space<vmem>>, vector<1x16xf32>,
    %swap3A_461 = arith.constant 9 : i32
    %swap3A_462 = arith.index_cast %swap3A_461 : i32 to index
    %swap3A_463 = arith.constant 96 : index
    %swap3A_464 = tpu.vector_load %arg4[%swap3A_462, %swap3A_463] {strides = array<i32>} : memref<16x128xf32, #tpu.memory_space<vmem>>, vector<1x16xf32>,
    %swap3A_465 = vector.shape_cast %swap3A_464 : vector<1x16xf32> to vector<16xf32>
    %swap3A_466 = vector.shape_cast %get3A_36 : vector<16xf32> to vector<1x16xf32>
    tpu.vector_store %arg4[%swap3A_462, %swap3A_463], %swap3A_466 {strides = array<i32>} : memref<16x128xf32, #tpu.memory_space<vmem>>, vector<1x16xf32>,
    %swap3A_467 = arith.constant 9 : i32
    %swap3A_468 = arith.index_cast %swap3A_467 : i32 to index
    %swap3A_469 = arith.constant 112 : index
    %swap3A_470 = tpu.vector_load %arg4[%swap3A_468, %swap3A_469] {strides = array<i32>} : memref<16x128xf32, #tpu.memory_space<vmem>>, vector<1x16xf32>,
    %swap3A_471 = vector.shape_cast %swap3A_470 : vector<1x16xf32> to vector<16xf32>
    %swap3A_472 = vector.shape_cast %get3A_41 : vector<16xf32> to vector<1x16xf32>
    tpu.vector_store %arg4[%swap3A_468, %swap3A_469], %swap3A_472 {strides = array<i32>} : memref<16x128xf32, #tpu.memory_space<vmem>>, vector<1x16xf32>,
    %swap3A_473 = arith.constant 10 : i32
    %swap3A_474 = arith.index_cast %swap3A_473 : i32 to index
    %swap3A_475 = arith.constant 0 : index
    %swap3A_476 = tpu.vector_load %arg4[%swap3A_474, %swap3A_475] {strides = array<i32>} : memref<16x128xf32, #tpu.memory_space<vmem>>, vector<1x16xf32>,
    %swap3A_477 = vector.shape_cast %swap3A_476 : vector<1x16xf32> to vector<16xf32>
    %swap3A_478 = vector.shape_cast %get3A_6 : vector<16xf32> to vector<1x16xf32>
    tpu.vector_store %arg4[%swap3A_474, %swap3A_475], %swap3A_478 {strides = array<i32>} : memref<16x128xf32, #tpu.memory_space<vmem>>, vector<1x16xf32>,
    %swap3A_479 = arith.constant 10 : i32
    %swap3A_480 = arith.index_cast %swap3A_479 : i32 to index
    %swap3A_481 = arith.constant 16 : index
    %swap3A_482 = tpu.vector_load %arg4[%swap3A_480, %swap3A_481] {strides = array<i32>} : memref<16x128xf32, #tpu.memory_space<vmem>>, vector<1x16xf32>,
    %swap3A_483 = vector.shape_cast %swap3A_482 : vector<1x16xf32> to vector<16xf32>
    %swap3A_484 = vector.shape_cast %get3A_11 : vector<16xf32> to vector<1x16xf32>
    tpu.vector_store %arg4[%swap3A_480, %swap3A_481], %swap3A_484 {strides = array<i32>} : memref<16x128xf32, #tpu.memory_space<vmem>>, vector<1x16xf32>,
    %swap3A_485 = arith.constant 10 : i32
    %swap3A_486 = arith.index_cast %swap3A_485 : i32 to index
    %swap3A_487 = arith.constant 32 : index
    %swap3A_488 = tpu.vector_load %arg4[%swap3A_486, %swap3A_487] {strides = array<i32>} : memref<16x128xf32, #tpu.memory_space<vmem>>, vector<1x16xf32>,
    %swap3A_489 = vector.shape_cast %swap3A_488 : vector<1x16xf32> to vector<16xf32>
    %swap3A_490 = vector.shape_cast %get3A_16 : vector<16xf32> to vector<1x16xf32>
    tpu.vector_store %arg4[%swap3A_486, %swap3A_487], %swap3A_490 {strides = array<i32>} : memref<16x128xf32, #tpu.memory_space<vmem>>, vector<1x16xf32>,
    %swap3A_491 = arith.constant 10 : i32
    %swap3A_492 = arith.index_cast %swap3A_491 : i32 to index
    %swap3A_493 = arith.constant 48 : index
    %swap3A_494 = tpu.vector_load %arg4[%swap3A_492, %swap3A_493] {strides = array<i32>} : memref<16x128xf32, #tpu.memory_space<vmem>>, vector<1x16xf32>,
    %swap3A_495 = vector.shape_cast %swap3A_494 : vector<1x16xf32> to vector<16xf32>
    %swap3A_496 = vector.shape_cast %get3A_21 : vector<16xf32> to vector<1x16xf32>
    tpu.vector_store %arg4[%swap3A_492, %swap3A_493], %swap3A_496 {strides = array<i32>} : memref<16x128xf32, #tpu.memory_space<vmem>>, vector<1x16xf32>,
    %swap3A_497 = arith.constant 10 : i32
    %swap3A_498 = arith.index_cast %swap3A_497 : i32 to index
    %swap3A_499 = arith.constant 64 : index
    %swap3A_500 = tpu.vector_load %arg4[%swap3A_498, %swap3A_499] {strides = array<i32>} : memref<16x128xf32, #tpu.memory_space<vmem>>, vector<1x16xf32>,
    %swap3A_501 = vector.shape_cast %swap3A_500 : vector<1x16xf32> to vector<16xf32>
    %swap3A_502 = vector.shape_cast %get3A_26 : vector<16xf32> to vector<1x16xf32>
    tpu.vector_store %arg4[%swap3A_498, %swap3A_499], %swap3A_502 {strides = array<i32>} : memref<16x128xf32, #tpu.memory_space<vmem>>, vector<1x16xf32>,
    %swap3A_503 = arith.constant 10 : i32
    %swap3A_504 = arith.index_cast %swap3A_503 : i32 to index
    %swap3A_505 = arith.constant 80 : index
    %swap3A_506 = tpu.vector_load %arg4[%swap3A_504, %swap3A_505] {strides = array<i32>} : memref<16x128xf32, #tpu.memory_space<vmem>>, vector<1x16xf32>,
    %swap3A_507 = vector.shape_cast %swap3A_506 : vector<1x16xf32> to vector<16xf32>
    %swap3A_508 = vector.shape_cast %get3A_31 : vector<16xf32> to vector<1x16xf32>
    tpu.vector_store %arg4[%swap3A_504, %swap3A_505], %swap3A_508 {strides = array<i32>} : memref<16x128xf32, #tpu.memory_space<vmem>>, vector<1x16xf32>,
    %swap3A_509 = arith.constant 10 : i32
    %swap3A_510 = arith.index_cast %swap3A_509 : i32 to index
    %swap3A_511 = arith.constant 96 : index
    %swap3A_512 = tpu.vector_load %arg4[%swap3A_510, %swap3A_511] {strides = array<i32>} : memref<16x128xf32, #tpu.memory_space<vmem>>, vector<1x16xf32>,
    %swap3A_513 = vector.shape_cast %swap3A_512 : vector<1x16xf32> to vector<16xf32>
    %swap3A_514 = vector.shape_cast %get3A_36 : vector<16xf32> to vector<1x16xf32>
    tpu.vector_store %arg4[%swap3A_510, %swap3A_511], %swap3A_514 {strides = array<i32>} : memref<16x128xf32, #tpu.memory_space<vmem>>, vector<1x16xf32>,
    %swap3A_515 = arith.constant 10 : i32
    %swap3A_516 = arith.index_cast %swap3A_515 : i32 to index
    %swap3A_517 = arith.constant 112 : index
    %swap3A_518 = tpu.vector_load %arg4[%swap3A_516, %swap3A_517] {strides = array<i32>} : memref<16x128xf32, #tpu.memory_space<vmem>>, vector<1x16xf32>,
    %swap3A_519 = vector.shape_cast %swap3A_518 : vector<1x16xf32> to vector<16xf32>
    %swap3A_520 = vector.shape_cast %get3A_41 : vector<16xf32> to vector<1x16xf32>
    tpu.vector_store %arg4[%swap3A_516, %swap3A_517], %swap3A_520 {strides = array<i32>} : memref<16x128xf32, #tpu.memory_space<vmem>>, vector<1x16xf32>,
    %swap3A_521 = arith.constant 11 : i32
    %swap3A_522 = arith.index_cast %swap3A_521 : i32 to index
    %swap3A_523 = arith.constant 0 : index
    %swap3A_524 = tpu.vector_load %arg4[%swap3A_522, %swap3A_523] {strides = array<i32>} : memref<16x128xf32, #tpu.memory_space<vmem>>, vector<1x16xf32>,
    %swap3A_525 = vector.shape_cast %swap3A_524 : vector<1x16xf32> to vector<16xf32>
    %swap3A_526 = vector.shape_cast %get3A_6 : vector<16xf32> to vector<1x16xf32>
    tpu.vector_store %arg4[%swap3A_522, %swap3A_523], %swap3A_526 {strides = array<i32>} : memref<16x128xf32, #tpu.memory_space<vmem>>, vector<1x16xf32>,
    %swap3A_527 = arith.constant 11 : i32
    %swap3A_528 = arith.index_cast %swap3A_527 : i32 to index
    %swap3A_529 = arith.constant 16 : index
    %swap3A_530 = tpu.vector_load %arg4[%swap3A_528, %swap3A_529] {strides = array<i32>} : memref<16x128xf32, #tpu.memory_space<vmem>>, vector<1x16xf32>,
    %swap3A_531 = vector.shape_cast %swap3A_530 : vector<1x16xf32> to vector<16xf32>
    %swap3A_532 = vector.shape_cast %get3A_11 : vector<16xf32> to vector<1x16xf32>
    tpu.vector_store %arg4[%swap3A_528, %swap3A_529], %swap3A_532 {strides = array<i32>} : memref<16x128xf32, #tpu.memory_space<vmem>>, vector<1x16xf32>,
    %swap3A_533 = arith.constant 11 : i32
    %swap3A_534 = arith.index_cast %swap3A_533 : i32 to index
    %swap3A_535 = arith.constant 32 : index
    %swap3A_536 = tpu.vector_load %arg4[%swap3A_534, %swap3A_535] {strides = array<i32>} : memref<16x128xf32, #tpu.memory_space<vmem>>, vector<1x16xf32>,
    %swap3A_537 = vector.shape_cast %swap3A_536 : vector<1x16xf32> to vector<16xf32>
    %swap3A_538 = vector.shape_cast %get3A_16 : vector<16xf32> to vector<1x16xf32>
    tpu.vector_store %arg4[%swap3A_534, %swap3A_535], %swap3A_538 {strides = array<i32>} : memref<16x128xf32, #tpu.memory_space<vmem>>, vector<1x16xf32>,
    %swap3A_539 = arith.constant 11 : i32
    %swap3A_540 = arith.index_cast %swap3A_539 : i32 to index
    %swap3A_541 = arith.constant 48 : index
    %swap3A_542 = tpu.vector_load %arg4[%swap3A_540, %swap3A_541] {strides = array<i32>} : memref<16x128xf32, #tpu.memory_space<vmem>>, vector<1x16xf32>,
    %swap3A_543 = vector.shape_cast %swap3A_542 : vector<1x16xf32> to vector<16xf32>
    %swap3A_544 = vector.shape_cast %get3A_21 : vector<16xf32> to vector<1x16xf32>
    tpu.vector_store %arg4[%swap3A_540, %swap3A_541], %swap3A_544 {strides = array<i32>} : memref<16x128xf32, #tpu.memory_space<vmem>>, vector<1x16xf32>,
    %swap3A_545 = arith.constant 11 : i32
    %swap3A_546 = arith.index_cast %swap3A_545 : i32 to index
    %swap3A_547 = arith.constant 64 : index
    %swap3A_548 = tpu.vector_load %arg4[%swap3A_546, %swap3A_547] {strides = array<i32>} : memref<16x128xf32, #tpu.memory_space<vmem>>, vector<1x16xf32>,
    %swap3A_549 = vector.shape_cast %swap3A_548 : vector<1x16xf32> to vector<16xf32>
    %swap3A_550 = vector.shape_cast %get3A_26 : vector<16xf32> to vector<1x16xf32>
    tpu.vector_store %arg4[%swap3A_546, %swap3A_547], %swap3A_550 {strides = array<i32>} : memref<16x128xf32, #tpu.memory_space<vmem>>, vector<1x16xf32>,
    %swap3A_551 = arith.constant 11 : i32
    %swap3A_552 = arith.index_cast %swap3A_551 : i32 to index
    %swap3A_553 = arith.constant 80 : index
    %swap3A_554 = tpu.vector_load %arg4[%swap3A_552, %swap3A_553] {strides = array<i32>} : memref<16x128xf32, #tpu.memory_space<vmem>>, vector<1x16xf32>,
    %swap3A_555 = vector.shape_cast %swap3A_554 : vector<1x16xf32> to vector<16xf32>
    %swap3A_556 = vector.shape_cast %get3A_31 : vector<16xf32> to vector<1x16xf32>
    tpu.vector_store %arg4[%swap3A_552, %swap3A_553], %swap3A_556 {strides = array<i32>} : memref<16x128xf32, #tpu.memory_space<vmem>>, vector<1x16xf32>,
    %swap3A_557 = arith.constant 11 : i32
    %swap3A_558 = arith.index_cast %swap3A_557 : i32 to index
    %swap3A_559 = arith.constant 96 : index
    %swap3A_560 = tpu.vector_load %arg4[%swap3A_558, %swap3A_559] {strides = array<i32>} : memref<16x128xf32, #tpu.memory_space<vmem>>, vector<1x16xf32>,
    %swap3A_561 = vector.shape_cast %swap3A_560 : vector<1x16xf32> to vector<16xf32>
    %swap3A_562 = vector.shape_cast %get3A_36 : vector<16xf32> to vector<1x16xf32>
    tpu.vector_store %arg4[%swap3A_558, %swap3A_559], %swap3A_562 {strides = array<i32>} : memref<16x128xf32, #tpu.memory_space<vmem>>, vector<1x16xf32>,
    %swap3A_563 = arith.constant 11 : i32
    %swap3A_564 = arith.index_cast %swap3A_563 : i32 to index
    %swap3A_565 = arith.constant 112 : index
    %swap3A_566 = tpu.vector_load %arg4[%swap3A_564, %swap3A_565] {strides = array<i32>} : memref<16x128xf32, #tpu.memory_space<vmem>>, vector<1x16xf32>,
    %swap3A_567 = vector.shape_cast %swap3A_566 : vector<1x16xf32> to vector<16xf32>
    %swap3A_568 = vector.shape_cast %get3A_41 : vector<16xf32> to vector<1x16xf32>
    tpu.vector_store %arg4[%swap3A_564, %swap3A_565], %swap3A_568 {strides = array<i32>} : memref<16x128xf32, #tpu.memory_space<vmem>>, vector<1x16xf32>,
    %swap3A_569 = arith.constant 12 : i32
    %swap3A_570 = arith.index_cast %swap3A_569 : i32 to index
    %swap3A_571 = arith.constant 0 : index
    %swap3A_572 = tpu.vector_load %arg4[%swap3A_570, %swap3A_571] {strides = array<i32>} : memref<16x128xf32, #tpu.memory_space<vmem>>, vector<1x16xf32>,
    %swap3A_573 = vector.shape_cast %swap3A_572 : vector<1x16xf32> to vector<16xf32>
    %swap3A_574 = vector.shape_cast %get3A_6 : vector<16xf32> to vector<1x16xf32>
    tpu.vector_store %arg4[%swap3A_570, %swap3A_571], %swap3A_574 {strides = array<i32>} : memref<16x128xf32, #tpu.memory_space<vmem>>, vector<1x16xf32>,
    %swap3A_575 = arith.constant 12 : i32
    %swap3A_576 = arith.index_cast %swap3A_575 : i32 to index
    %swap3A_577 = arith.constant 16 : index
    %swap3A_578 = tpu.vector_load %arg4[%swap3A_576, %swap3A_577] {strides = array<i32>} : memref<16x128xf32, #tpu.memory_space<vmem>>, vector<1x16xf32>,
    %swap3A_579 = vector.shape_cast %swap3A_578 : vector<1x16xf32> to vector<16xf32>
    %swap3A_580 = vector.shape_cast %get3A_11 : vector<16xf32> to vector<1x16xf32>
    tpu.vector_store %arg4[%swap3A_576, %swap3A_577], %swap3A_580 {strides = array<i32>} : memref<16x128xf32, #tpu.memory_space<vmem>>, vector<1x16xf32>,
    %swap3A_581 = arith.constant 12 : i32
    %swap3A_582 = arith.index_cast %swap3A_581 : i32 to index
    %swap3A_583 = arith.constant 32 : index
    %swap3A_584 = tpu.vector_load %arg4[%swap3A_582, %swap3A_583] {strides = array<i32>} : memref<16x128xf32, #tpu.memory_space<vmem>>, vector<1x16xf32>,
    %swap3A_585 = vector.shape_cast %swap3A_584 : vector<1x16xf32> to vector<16xf32>
    %swap3A_586 = vector.shape_cast %get3A_16 : vector<16xf32> to vector<1x16xf32>
    tpu.vector_store %arg4[%swap3A_582, %swap3A_583], %swap3A_586 {strides = array<i32>} : memref<16x128xf32, #tpu.memory_space<vmem>>, vector<1x16xf32>,
    %swap3A_587 = arith.constant 12 : i32
    %swap3A_588 = arith.index_cast %swap3A_587 : i32 to index
    %swap3A_589 = arith.constant 48 : index
    %swap3A_590 = tpu.vector_load %arg4[%swap3A_588, %swap3A_589] {strides = array<i32>} : memref<16x128xf32, #tpu.memory_space<vmem>>, vector<1x16xf32>,
    %swap3A_591 = vector.shape_cast %swap3A_590 : vector<1x16xf32> to vector<16xf32>
    %swap3A_592 = vector.shape_cast %get3A_21 : vector<16xf32> to vector<1x16xf32>
    tpu.vector_store %arg4[%swap3A_588, %swap3A_589], %swap3A_592 {strides = array<i32>} : memref<16x128xf32, #tpu.memory_space<vmem>>, vector<1x16xf32>,
    %swap3A_593 = arith.constant 12 : i32
    %swap3A_594 = arith.index_cast %swap3A_593 : i32 to index
    %swap3A_595 = arith.constant 64 : index
    %swap3A_596 = tpu.vector_load %arg4[%swap3A_594, %swap3A_595] {strides = array<i32>} : memref<16x128xf32, #tpu.memory_space<vmem>>, vector<1x16xf32>,
    %swap3A_597 = vector.shape_cast %swap3A_596 : vector<1x16xf32> to vector<16xf32>
    %swap3A_598 = vector.shape_cast %get3A_26 : vector<16xf32> to vector<1x16xf32>
    tpu.vector_store %arg4[%swap3A_594, %swap3A_595], %swap3A_598 {strides = array<i32>} : memref<16x128xf32, #tpu.memory_space<vmem>>, vector<1x16xf32>,
    %swap3A_599 = arith.constant 12 : i32
    %swap3A_600 = arith.index_cast %swap3A_599 : i32 to index
    %swap3A_601 = arith.constant 80 : index
    %swap3A_602 = tpu.vector_load %arg4[%swap3A_600, %swap3A_601] {strides = array<i32>} : memref<16x128xf32, #tpu.memory_space<vmem>>, vector<1x16xf32>,
    %swap3A_603 = vector.shape_cast %swap3A_602 : vector<1x16xf32> to vector<16xf32>
    %swap3A_604 = vector.shape_cast %get3A_31 : vector<16xf32> to vector<1x16xf32>
    tpu.vector_store %arg4[%swap3A_600, %swap3A_601], %swap3A_604 {strides = array<i32>} : memref<16x128xf32, #tpu.memory_space<vmem>>, vector<1x16xf32>,
    %swap3A_605 = arith.constant 12 : i32
    %swap3A_606 = arith.index_cast %swap3A_605 : i32 to index
    %swap3A_607 = arith.constant 96 : index
    %swap3A_608 = tpu.vector_load %arg4[%swap3A_606, %swap3A_607] {strides = array<i32>} : memref<16x128xf32, #tpu.memory_space<vmem>>, vector<1x16xf32>,
    %swap3A_609 = vector.shape_cast %swap3A_608 : vector<1x16xf32> to vector<16xf32>
    %swap3A_610 = vector.shape_cast %get3A_36 : vector<16xf32> to vector<1x16xf32>
    tpu.vector_store %arg4[%swap3A_606, %swap3A_607], %swap3A_610 {strides = array<i32>} : memref<16x128xf32, #tpu.memory_space<vmem>>, vector<1x16xf32>,
    %swap3A_611 = arith.constant 12 : i32
    %swap3A_612 = arith.index_cast %swap3A_611 : i32 to index
    %swap3A_613 = arith.constant 112 : index
    %swap3A_614 = tpu.vector_load %arg4[%swap3A_612, %swap3A_613] {strides = array<i32>} : memref<16x128xf32, #tpu.memory_space<vmem>>, vector<1x16xf32>,
    %swap3A_615 = vector.shape_cast %swap3A_614 : vector<1x16xf32> to vector<16xf32>
    %swap3A_616 = vector.shape_cast %get3A_41 : vector<16xf32> to vector<1x16xf32>
    tpu.vector_store %arg4[%swap3A_612, %swap3A_613], %swap3A_616 {strides = array<i32>} : memref<16x128xf32, #tpu.memory_space<vmem>>, vector<1x16xf32>,
    %swap3A_617 = arith.constant 13 : i32
    %swap3A_618 = arith.index_cast %swap3A_617 : i32 to index
    %swap3A_619 = arith.constant 0 : index
    %swap3A_620 = tpu.vector_load %arg4[%swap3A_618, %swap3A_619] {strides = array<i32>} : memref<16x128xf32, #tpu.memory_space<vmem>>, vector<1x16xf32>,
    %swap3A_621 = vector.shape_cast %swap3A_620 : vector<1x16xf32> to vector<16xf32>
    %swap3A_622 = vector.shape_cast %get3A_6 : vector<16xf32> to vector<1x16xf32>
    tpu.vector_store %arg4[%swap3A_618, %swap3A_619], %swap3A_622 {strides = array<i32>} : memref<16x128xf32, #tpu.memory_space<vmem>>, vector<1x16xf32>,
    %swap3A_623 = arith.constant 13 : i32
    %swap3A_624 = arith.index_cast %swap3A_623 : i32 to index
    %swap3A_625 = arith.constant 16 : index
    %swap3A_626 = tpu.vector_load %arg4[%swap3A_624, %swap3A_625] {strides = array<i32>} : memref<16x128xf32, #tpu.memory_space<vmem>>, vector<1x16xf32>,
    %swap3A_627 = vector.shape_cast %swap3A_626 : vector<1x16xf32> to vector<16xf32>
    %swap3A_628 = vector.shape_cast %get3A_11 : vector<16xf32> to vector<1x16xf32>
    tpu.vector_store %arg4[%swap3A_624, %swap3A_625], %swap3A_628 {strides = array<i32>} : memref<16x128xf32, #tpu.memory_space<vmem>>, vector<1x16xf32>,
    %swap3A_629 = arith.constant 13 : i32
    %swap3A_630 = arith.index_cast %swap3A_629 : i32 to index
    %swap3A_631 = arith.constant 32 : index
    %swap3A_632 = tpu.vector_load %arg4[%swap3A_630, %swap3A_631] {strides = array<i32>} : memref<16x128xf32, #tpu.memory_space<vmem>>, vector<1x16xf32>,
    %swap3A_633 = vector.shape_cast %swap3A_632 : vector<1x16xf32> to vector<16xf32>
    %swap3A_634 = vector.shape_cast %get3A_16 : vector<16xf32> to vector<1x16xf32>
    tpu.vector_store %arg4[%swap3A_630, %swap3A_631], %swap3A_634 {strides = array<i32>} : memref<16x128xf32, #tpu.memory_space<vmem>>, vector<1x16xf32>,
    %swap3A_635 = arith.constant 13 : i32
    %swap3A_636 = arith.index_cast %swap3A_635 : i32 to index
    %swap3A_637 = arith.constant 48 : index
    %swap3A_638 = tpu.vector_load %arg4[%swap3A_636, %swap3A_637] {strides = array<i32>} : memref<16x128xf32, #tpu.memory_space<vmem>>, vector<1x16xf32>,
    %swap3A_639 = vector.shape_cast %swap3A_638 : vector<1x16xf32> to vector<16xf32>
    %swap3A_640 = vector.shape_cast %get3A_21 : vector<16xf32> to vector<1x16xf32>
    tpu.vector_store %arg4[%swap3A_636, %swap3A_637], %swap3A_640 {strides = array<i32>} : memref<16x128xf32, #tpu.memory_space<vmem>>, vector<1x16xf32>,
    %swap3A_641 = arith.constant 13 : i32
    %swap3A_642 = arith.index_cast %swap3A_641 : i32 to index
    %swap3A_643 = arith.constant 64 : index
    %swap3A_644 = tpu.vector_load %arg4[%swap3A_642, %swap3A_643] {strides = array<i32>} : memref<16x128xf32, #tpu.memory_space<vmem>>, vector<1x16xf32>,
    %swap3A_645 = vector.shape_cast %swap3A_644 : vector<1x16xf32> to vector<16xf32>
    %swap3A_646 = vector.shape_cast %get3A_26 : vector<16xf32> to vector<1x16xf32>
    tpu.vector_store %arg4[%swap3A_642, %swap3A_643], %swap3A_646 {strides = array<i32>} : memref<16x128xf32, #tpu.memory_space<vmem>>, vector<1x16xf32>,
    %swap3A_647 = arith.constant 13 : i32
    %swap3A_648 = arith.index_cast %swap3A_647 : i32 to index
    %swap3A_649 = arith.constant 80 : index
    %swap3A_650 = tpu.vector_load %arg4[%swap3A_648, %swap3A_649] {strides = array<i32>} : memref<16x128xf32, #tpu.memory_space<vmem>>, vector<1x16xf32>,
    %swap3A_651 = vector.shape_cast %swap3A_650 : vector<1x16xf32> to vector<16xf32>
    %swap3A_652 = vector.shape_cast %get3A_31 : vector<16xf32> to vector<1x16xf32>
    tpu.vector_store %arg4[%swap3A_648, %swap3A_649], %swap3A_652 {strides = array<i32>} : memref<16x128xf32, #tpu.memory_space<vmem>>, vector<1x16xf32>,
    %swap3A_653 = arith.constant 13 : i32
    %swap3A_654 = arith.index_cast %swap3A_653 : i32 to index
    %swap3A_655 = arith.constant 96 : index
    %swap3A_656 = tpu.vector_load %arg4[%swap3A_654, %swap3A_655] {strides = array<i32>} : memref<16x128xf32, #tpu.memory_space<vmem>>, vector<1x16xf32>,
    %swap3A_657 = vector.shape_cast %swap3A_656 : vector<1x16xf32> to vector<16xf32>
    %swap3A_658 = vector.shape_cast %get3A_36 : vector<16xf32> to vector<1x16xf32>
    tpu.vector_store %arg4[%swap3A_654, %swap3A_655], %swap3A_658 {strides = array<i32>} : memref<16x128xf32, #tpu.memory_space<vmem>>, vector<1x16xf32>,
    %swap3A_659 = arith.constant 13 : i32
    %swap3A_660 = arith.index_cast %swap3A_659 : i32 to index
    %swap3A_661 = arith.constant 112 : index
    %swap3A_662 = tpu.vector_load %arg4[%swap3A_660, %swap3A_661] {strides = array<i32>} : memref<16x128xf32, #tpu.memory_space<vmem>>, vector<1x16xf32>,
    %swap3A_663 = vector.shape_cast %swap3A_662 : vector<1x16xf32> to vector<16xf32>
    %swap3A_664 = vector.shape_cast %get3A_41 : vector<16xf32> to vector<1x16xf32>
    tpu.vector_store %arg4[%swap3A_660, %swap3A_661], %swap3A_664 {strides = array<i32>} : memref<16x128xf32, #tpu.memory_space<vmem>>, vector<1x16xf32>,
    %swap3A_665 = arith.constant 14 : i32
    %swap3A_666 = arith.index_cast %swap3A_665 : i32 to index
    %swap3A_667 = arith.constant 0 : index
    %swap3A_668 = tpu.vector_load %arg4[%swap3A_666, %swap3A_667] {strides = array<i32>} : memref<16x128xf32, #tpu.memory_space<vmem>>, vector<1x16xf32>,
    %swap3A_669 = vector.shape_cast %swap3A_668 : vector<1x16xf32> to vector<16xf32>
    %swap3A_670 = vector.shape_cast %get3A_6 : vector<16xf32> to vector<1x16xf32>
    tpu.vector_store %arg4[%swap3A_666, %swap3A_667], %swap3A_670 {strides = array<i32>} : memref<16x128xf32, #tpu.memory_space<vmem>>, vector<1x16xf32>,
    %swap3A_671 = arith.constant 14 : i32
    %swap3A_672 = arith.index_cast %swap3A_671 : i32 to index
    %swap3A_673 = arith.constant 16 : index
    %swap3A_674 = tpu.vector_load %arg4[%swap3A_672, %swap3A_673] {strides = array<i32>} : memref<16x128xf32, #tpu.memory_space<vmem>>, vector<1x16xf32>,
    %swap3A_675 = vector.shape_cast %swap3A_674 : vector<1x16xf32> to vector<16xf32>
    %swap3A_676 = vector.shape_cast %get3A_11 : vector<16xf32> to vector<1x16xf32>
    tpu.vector_store %arg4[%swap3A_672, %swap3A_673], %swap3A_676 {strides = array<i32>} : memref<16x128xf32, #tpu.memory_space<vmem>>, vector<1x16xf32>,
    %swap3A_677 = arith.constant 14 : i32
    %swap3A_678 = arith.index_cast %swap3A_677 : i32 to index
    %swap3A_679 = arith.constant 32 : index
    %swap3A_680 = tpu.vector_load %arg4[%swap3A_678, %swap3A_679] {strides = array<i32>} : memref<16x128xf32, #tpu.memory_space<vmem>>, vector<1x16xf32>,
    %swap3A_681 = vector.shape_cast %swap3A_680 : vector<1x16xf32> to vector<16xf32>
    %swap3A_682 = vector.shape_cast %get3A_16 : vector<16xf32> to vector<1x16xf32>
    tpu.vector_store %arg4[%swap3A_678, %swap3A_679], %swap3A_682 {strides = array<i32>} : memref<16x128xf32, #tpu.memory_space<vmem>>, vector<1x16xf32>,
    %swap3A_683 = arith.constant 14 : i32
    %swap3A_684 = arith.index_cast %swap3A_683 : i32 to index
    %swap3A_685 = arith.constant 48 : index
    %swap3A_686 = tpu.vector_load %arg4[%swap3A_684, %swap3A_685] {strides = array<i32>} : memref<16x128xf32, #tpu.memory_space<vmem>>, vector<1x16xf32>,
    %swap3A_687 = vector.shape_cast %swap3A_686 : vector<1x16xf32> to vector<16xf32>
    %swap3A_688 = vector.shape_cast %get3A_21 : vector<16xf32> to vector<1x16xf32>
    tpu.vector_store %arg4[%swap3A_684, %swap3A_685], %swap3A_688 {strides = array<i32>} : memref<16x128xf32, #tpu.memory_space<vmem>>, vector<1x16xf32>,
    %swap3A_689 = arith.constant 14 : i32
    %swap3A_690 = arith.index_cast %swap3A_689 : i32 to index
    %swap3A_691 = arith.constant 64 : index
    %swap3A_692 = tpu.vector_load %arg4[%swap3A_690, %swap3A_691] {strides = array<i32>} : memref<16x128xf32, #tpu.memory_space<vmem>>, vector<1x16xf32>,
    %swap3A_693 = vector.shape_cast %swap3A_692 : vector<1x16xf32> to vector<16xf32>
    %swap3A_694 = vector.shape_cast %get3A_26 : vector<16xf32> to vector<1x16xf32>
    tpu.vector_store %arg4[%swap3A_690, %swap3A_691], %swap3A_694 {strides = array<i32>} : memref<16x128xf32, #tpu.memory_space<vmem>>, vector<1x16xf32>,
    %swap3A_695 = arith.constant 14 : i32
    %swap3A_696 = arith.index_cast %swap3A_695 : i32 to index
    %swap3A_697 = arith.constant 80 : index
    %swap3A_698 = tpu.vector_load %arg4[%swap3A_696, %swap3A_697] {strides = array<i32>} : memref<16x128xf32, #tpu.memory_space<vmem>>, vector<1x16xf32>,
    %swap3A_699 = vector.shape_cast %swap3A_698 : vector<1x16xf32> to vector<16xf32>
    %swap3A_700 = vector.shape_cast %get3A_31 : vector<16xf32> to vector<1x16xf32>
    tpu.vector_store %arg4[%swap3A_696, %swap3A_697], %swap3A_700 {strides = array<i32>} : memref<16x128xf32, #tpu.memory_space<vmem>>, vector<1x16xf32>,
    %swap3A_701 = arith.constant 14 : i32
    %swap3A_702 = arith.index_cast %swap3A_701 : i32 to index
    %swap3A_703 = arith.constant 96 : index
    %swap3A_704 = tpu.vector_load %arg4[%swap3A_702, %swap3A_703] {strides = array<i32>} : memref<16x128xf32, #tpu.memory_space<vmem>>, vector<1x16xf32>,
    %swap3A_705 = vector.shape_cast %swap3A_704 : vector<1x16xf32> to vector<16xf32>
    %swap3A_706 = vector.shape_cast %get3A_36 : vector<16xf32> to vector<1x16xf32>
    tpu.vector_store %arg4[%swap3A_702, %swap3A_703], %swap3A_706 {strides = array<i32>} : memref<16x128xf32, #tpu.memory_space<vmem>>, vector<1x16xf32>,
    %swap3A_707 = arith.constant 14 : i32
    %swap3A_708 = arith.index_cast %swap3A_707 : i32 to index
    %swap3A_709 = arith.constant 112 : index
    %swap3A_710 = tpu.vector_load %arg4[%swap3A_708, %swap3A_709] {strides = array<i32>} : memref<16x128xf32, #tpu.memory_space<vmem>>, vector<1x16xf32>,
    %swap3A_711 = vector.shape_cast %swap3A_710 : vector<1x16xf32> to vector<16xf32>
    %swap3A_712 = vector.shape_cast %get3A_41 : vector<16xf32> to vector<1x16xf32>
    tpu.vector_store %arg4[%swap3A_708, %swap3A_709], %swap3A_712 {strides = array<i32>} : memref<16x128xf32, #tpu.memory_space<vmem>>, vector<1x16xf32>,
    %swap3A_713 = arith.constant 15 : i32
    %swap3A_714 = arith.index_cast %swap3A_713 : i32 to index
    %swap3A_715 = arith.constant 0 : index
    %swap3A_716 = tpu.vector_load %arg4[%swap3A_714, %swap3A_715] {strides = array<i32>} : memref<16x128xf32, #tpu.memory_space<vmem>>, vector<1x16xf32>,
    %swap3A_717 = vector.shape_cast %swap3A_716 : vector<1x16xf32> to vector<16xf32>
    %swap3A_718 = vector.shape_cast %get3A_6 : vector<16xf32> to vector<1x16xf32>
    tpu.vector_store %arg4[%swap3A_714, %swap3A_715], %swap3A_718 {strides = array<i32>} : memref<16x128xf32, #tpu.memory_space<vmem>>, vector<1x16xf32>,
    %swap3A_719 = arith.constant 15 : i32
    %swap3A_720 = arith.index_cast %swap3A_719 : i32 to index
    %swap3A_721 = arith.constant 16 : index
    %swap3A_722 = tpu.vector_load %arg4[%swap3A_720, %swap3A_721] {strides = array<i32>} : memref<16x128xf32, #tpu.memory_space<vmem>>, vector<1x16xf32>,
    %swap3A_723 = vector.shape_cast %swap3A_722 : vector<1x16xf32> to vector<16xf32>
    %swap3A_724 = vector.shape_cast %get3A_11 : vector<16xf32> to vector<1x16xf32>
    tpu.vector_store %arg4[%swap3A_720, %swap3A_721], %swap3A_724 {strides = array<i32>} : memref<16x128xf32, #tpu.memory_space<vmem>>, vector<1x16xf32>,
    %swap3A_725 = arith.constant 15 : i32
    %swap3A_726 = arith.index_cast %swap3A_725 : i32 to index
    %swap3A_727 = arith.constant 32 : index
    %swap3A_728 = tpu.vector_load %arg4[%swap3A_726, %swap3A_727] {strides = array<i32>} : memref<16x128xf32, #tpu.memory_space<vmem>>, vector<1x16xf32>,
    %swap3A_729 = vector.shape_cast %swap3A_728 : vector<1x16xf32> to vector<16xf32>
    %swap3A_730 = vector.shape_cast %get3A_16 : vector<16xf32> to vector<1x16xf32>
    tpu.vector_store %arg4[%swap3A_726, %swap3A_727], %swap3A_730 {strides = array<i32>} : memref<16x128xf32, #tpu.memory_space<vmem>>, vector<1x16xf32>,
    %swap3A_731 = arith.constant 15 : i32
    %swap3A_732 = arith.index_cast %swap3A_731 : i32 to index
    %swap3A_733 = arith.constant 48 : index
    %swap3A_734 = tpu.vector_load %arg4[%swap3A_732, %swap3A_733] {strides = array<i32>} : memref<16x128xf32, #tpu.memory_space<vmem>>, vector<1x16xf32>,
    %swap3A_735 = vector.shape_cast %swap3A_734 : vector<1x16xf32> to vector<16xf32>
    %swap3A_736 = vector.shape_cast %get3A_21 : vector<16xf32> to vector<1x16xf32>
    tpu.vector_store %arg4[%swap3A_732, %swap3A_733], %swap3A_736 {strides = array<i32>} : memref<16x128xf32, #tpu.memory_space<vmem>>, vector<1x16xf32>,
    %swap3A_737 = arith.constant 15 : i32
    %swap3A_738 = arith.index_cast %swap3A_737 : i32 to index
    %swap3A_739 = arith.constant 64 : index
    %swap3A_740 = tpu.vector_load %arg4[%swap3A_738, %swap3A_739] {strides = array<i32>} : memref<16x128xf32, #tpu.memory_space<vmem>>, vector<1x16xf32>,
    %swap3A_741 = vector.shape_cast %swap3A_740 : vector<1x16xf32> to vector<16xf32>
    %swap3A_742 = vector.shape_cast %get3A_26 : vector<16xf32> to vector<1x16xf32>
    tpu.vector_store %arg4[%swap3A_738, %swap3A_739], %swap3A_742 {strides = array<i32>} : memref<16x128xf32, #tpu.memory_space<vmem>>, vector<1x16xf32>,
    %swap3A_743 = arith.constant 15 : i32
    %swap3A_744 = arith.index_cast %swap3A_743 : i32 to index
    %swap3A_745 = arith.constant 80 : index
    %swap3A_746 = tpu.vector_load %arg4[%swap3A_744, %swap3A_745] {strides = array<i32>} : memref<16x128xf32, #tpu.memory_space<vmem>>, vector<1x16xf32>,
    %swap3A_747 = vector.shape_cast %swap3A_746 : vector<1x16xf32> to vector<16xf32>
    %swap3A_748 = vector.shape_cast %get3A_31 : vector<16xf32> to vector<1x16xf32>
    tpu.vector_store %arg4[%swap3A_744, %swap3A_745], %swap3A_748 {strides = array<i32>} : memref<16x128xf32, #tpu.memory_space<vmem>>, vector<1x16xf32>,
    %swap3A_749 = arith.constant 15 : i32
    %swap3A_750 = arith.index_cast %swap3A_749 : i32 to index
    %swap3A_751 = arith.constant 96 : index
    %swap3A_752 = tpu.vector_load %arg4[%swap3A_750, %swap3A_751] {strides = array<i32>} : memref<16x128xf32, #tpu.memory_space<vmem>>, vector<1x16xf32>,
    %swap3A_753 = vector.shape_cast %swap3A_752 : vector<1x16xf32> to vector<16xf32>
    %swap3A_754 = vector.shape_cast %get3A_36 : vector<16xf32> to vector<1x16xf32>
    tpu.vector_store %arg4[%swap3A_750, %swap3A_751], %swap3A_754 {strides = array<i32>} : memref<16x128xf32, #tpu.memory_space<vmem>>, vector<1x16xf32>,
    %swap3A_755 = arith.constant 15 : i32
    %swap3A_756 = arith.index_cast %swap3A_755 : i32 to index
    %swap3A_757 = arith.constant 112 : index
    %swap3A_758 = tpu.vector_load %arg4[%swap3A_756, %swap3A_757] {strides = array<i32>} : memref<16x128xf32, #tpu.memory_space<vmem>>, vector<1x16xf32>,
    %swap3A_759 = vector.shape_cast %swap3A_758 : vector<1x16xf32> to vector<16xf32>
    %swap3A_760 = vector.shape_cast %get3A_41 : vector<16xf32> to vector<1x16xf32>
    tpu.vector_store %arg4[%swap3A_756, %swap3A_757], %swap3A_760 {strides = array<i32>} : memref<16x128xf32, #tpu.memory_space<vmem>>, vector<1x16xf32>,
    %add3A_761 = arith.constant 0 : i32
    %add3A_762 = arith.addi %mul3A_2, %add3A_761 : i32
    %dma_start3A = arith.constant 0 : i32
    %dma_start3A_763 = tpu.memref_slice %arg3[%add3A_762, %dma_start3A] : memref<4096x128xf32, #tpu.memory_space<hbm>> -> memref<16x128xf32, #tpu.memory_space<hbm>>
    %dma_start3A_764 = arith.constant 0 : i32
    %dma_start3A_765 = tpu.memref_slice %arg3[%add3A_762, %dma_start3A_764] : memref<4096x128xf32, #tpu.memory_space<hbm>> -> memref<16x128xf32, #tpu.memory_space<hbm>>
    tpu.enqueue_dma source(%arg4 : memref<16x128xf32, #tpu.memory_space<vmem>>) target(%dma_start3A_765 : memref<16x128xf32, #tpu.memory_space<hbm>>) target_semaphore(%arg5 : memref<!tpu.dma_semaphore, #tpu.memory_space<semaphore_mem>>)
    %add3A_766 = arith.constant 16 : i32
    %add3A_767 = arith.addi %mul3A_2, %add3A_766 : i32
    %dma_start3A_768 = arith.constant 0 : i32
    %dma_start3A_769 = tpu.memref_slice %arg3[%add3A_767, %dma_start3A_768] : memref<4096x128xf32, #tpu.memory_space<hbm>> -> memref<16x128xf32, #tpu.memory_space<hbm>>
    %dma_start3A_770 = arith.constant 0 : i32
    %dma_start3A_771 = tpu.memref_slice %arg3[%add3A_767, %dma_start3A_770] : memref<4096x128xf32, #tpu.memory_space<hbm>> -> memref<16x128xf32, #tpu.memory_space<hbm>>
    tpu.enqueue_dma source(%arg4 : memref<16x128xf32, #tpu.memory_space<vmem>>) target(%dma_start3A_771 : memref<16x128xf32, #tpu.memory_space<hbm>>) target_semaphore(%arg5 : memref<!tpu.dma_semaphore, #tpu.memory_space<semaphore_mem>>)
    %add3A_772 = arith.constant 32 : i32
    %add3A_773 = arith.addi %mul3A_2, %add3A_772 : i32
    %dma_start3A_774 = arith.constant 0 : i32
    %dma_start3A_775 = tpu.memref_slice %arg3[%add3A_773, %dma_start3A_774] : memref<4096x128xf32, #tpu.memory_space<hbm>> -> memref<16x128xf32, #tpu.memory_space<hbm>>
    %dma_start3A_776 = arith.constant 0 : i32
    %dma_start3A_777 = tpu.memref_slice %arg3[%add3A_773, %dma_start3A_776] : memref<4096x128xf32, #tpu.memory_space<hbm>> -> memref<16x128xf32, #tpu.memory_space<hbm>>
    tpu.enqueue_dma source(%arg4 : memref<16x128xf32, #tpu.memory_space<vmem>>) target(%dma_start3A_777 : memref<16x128xf32, #tpu.memory_space<hbm>>) target_semaphore(%arg5 : memref<!tpu.dma_semaphore, #tpu.memory_space<semaphore_mem>>)
    %add3A_778 = arith.constant 48 : i32
    %add3A_779 = arith.addi %mul3A_2, %add3A_778 : i32
    %dma_start3A_780 = arith.constant 0 : i32
    %dma_start3A_781 = tpu.memref_slice %arg3[%add3A_779, %dma_start3A_780] : memref<4096x128xf32, #tpu.memory_space<hbm>> -> memref<16x128xf32, #tpu.memory_space<hbm>>
    %dma_start3A_782 = arith.constant 0 : i32
    %dma_start3A_783 = tpu.memref_slice %arg3[%add3A_779, %dma_start3A_782] : memref<4096x128xf32, #tpu.memory_space<hbm>> -> memref<16x128xf32, #tpu.memory_space<hbm>>
    tpu.enqueue_dma source(%arg4 : memref<16x128xf32, #tpu.memory_space<vmem>>) target(%dma_start3A_783 : memref<16x128xf32, #tpu.memory_space<hbm>>) target_semaphore(%arg5 : memref<!tpu.dma_semaphore, #tpu.memory_space<semaphore_mem>>)
    %add3A_784 = arith.constant 64 : i32
    %add3A_785 = arith.addi %mul3A_2, %add3A_784 : i32
    %dma_start3A_786 = arith.constant 0 : i32
    %dma_start3A_787 = tpu.memref_slice %arg3[%add3A_785, %dma_start3A_786] : memref<4096x128xf32, #tpu.memory_space<hbm>> -> memref<16x128xf32, #tpu.memory_space<hbm>>
    %dma_start3A_788 = arith.constant 0 : i32
    %dma_start3A_789 = tpu.memref_slice %arg3[%add3A_785, %dma_start3A_788] : memref<4096x128xf32, #tpu.memory_space<hbm>> -> memref<16x128xf32, #tpu.memory_space<hbm>>
    tpu.enqueue_dma source(%arg4 : memref<16x128xf32, #tpu.memory_space<vmem>>) target(%dma_start3A_789 : memref<16x128xf32, #tpu.memory_space<hbm>>) target_semaphore(%arg5 : memref<!tpu.dma_semaphore, #tpu.memory_space<semaphore_mem>>)
    %add3A_790 = arith.constant 80 : i32
    %add3A_791 = arith.addi %mul3A_2, %add3A_790 : i32
    %dma_start3A_792 = arith.constant 0 : i32
    %dma_start3A_793 = tpu.memref_slice %arg3[%add3A_791, %dma_start3A_792] : memref<4096x128xf32, #tpu.memory_space<hbm>> -> memref<16x128xf32, #tpu.memory_space<hbm>>
    %dma_start3A_794 = arith.constant 0 : i32
    %dma_start3A_795 = tpu.memref_slice %arg3[%add3A_791, %dma_start3A_794] : memref<4096x128xf32, #tpu.memory_space<hbm>> -> memref<16x128xf32, #tpu.memory_space<hbm>>
    tpu.enqueue_dma source(%arg4 : memref<16x128xf32, #tpu.memory_space<vmem>>) target(%dma_start3A_795 : memref<16x128xf32, #tpu.memory_space<hbm>>) target_semaphore(%arg5 : memref<!tpu.dma_semaphore, #tpu.memory_space<semaphore_mem>>)
    %add3A_796 = arith.constant 96 : i32
    %add3A_797 = arith.addi %mul3A_2, %add3A_796 : i32
    %dma_start3A_798 = arith.constant 0 : i32
    %dma_start3A_799 = tpu.memref_slice %arg3[%add3A_797, %dma_start3A_798] : memref<4096x128xf32, #tpu.memory_space<hbm>> -> memref<16x128xf32, #tpu.memory_space<hbm>>
    %dma_start3A_800 = arith.constant 0 : i32
    %dma_start3A_801 = tpu.memref_slice %arg3[%add3A_797, %dma_start3A_800] : memref<4096x128xf32, #tpu.memory_space<hbm>> -> memref<16x128xf32, #tpu.memory_space<hbm>>
    tpu.enqueue_dma source(%arg4 : memref<16x128xf32, #tpu.memory_space<vmem>>) target(%dma_start3A_801 : memref<16x128xf32, #tpu.memory_space<hbm>>) target_semaphore(%arg5 : memref<!tpu.dma_semaphore, #tpu.memory_space<semaphore_mem>>)
    %add3A_802 = arith.constant 112 : i32
    %add3A_803 = arith.addi %mul3A_2, %add3A_802 : i32
    %dma_start3A_804 = arith.constant 0 : i32
    %dma_start3A_805 = tpu.memref_slice %arg3[%add3A_803, %dma_start3A_804] : memref<4096x128xf32, #tpu.memory_space<hbm>> -> memref<16x128xf32, #tpu.memory_space<hbm>>
    %dma_start3A_806 = arith.constant 0 : i32
    %dma_start3A_807 = tpu.memref_slice %arg3[%add3A_803, %dma_start3A_806] : memref<4096x128xf32, #tpu.memory_space<hbm>> -> memref<16x128xf32, #tpu.memory_space<hbm>>
    tpu.enqueue_dma source(%arg4 : memref<16x128xf32, #tpu.memory_space<vmem>>) target(%dma_start3A_807 : memref<16x128xf32, #tpu.memory_space<hbm>>) target_semaphore(%arg5 : memref<!tpu.dma_semaphore, #tpu.memory_space<semaphore_mem>>)
    %add3A_808 = arith.constant 128 : i32
    %add3A_809 = arith.addi %mul3A_2, %add3A_808 : i32
    %dma_start3A_810 = arith.constant 0 : i32
    %dma_start3A_811 = tpu.memref_slice %arg3[%add3A_809, %dma_start3A_810] : memref<4096x128xf32, #tpu.memory_space<hbm>> -> memref<16x128xf32, #tpu.memory_space<hbm>>
    %dma_start3A_812 = arith.constant 0 : i32
    %dma_start3A_813 = tpu.memref_slice %arg3[%add3A_809, %dma_start3A_812] : memref<4096x128xf32, #tpu.memory_space<hbm>> -> memref<16x128xf32, #tpu.memory_space<hbm>>
    tpu.enqueue_dma source(%arg4 : memref<16x128xf32, #tpu.memory_space<vmem>>) target(%dma_start3A_813 : memref<16x128xf32, #tpu.memory_space<hbm>>) target_semaphore(%arg5 : memref<!tpu.dma_semaphore, #tpu.memory_space<semaphore_mem>>)
    %add3A_814 = arith.constant 144 : i32
    %add3A_815 = arith.addi %mul3A_2, %add3A_814 : i32
    %dma_start3A_816 = arith.constant 0 : i32
    %dma_start3A_817 = tpu.memref_slice %arg3[%add3A_815, %dma_start3A_816] : memref<4096x128xf32, #tpu.memory_space<hbm>> -> memref<16x128xf32, #tpu.memory_space<hbm>>
    %dma_start3A_818 = arith.constant 0 : i32
    %dma_start3A_819 = tpu.memref_slice %arg3[%add3A_815, %dma_start3A_818] : memref<4096x128xf32, #tpu.memory_space<hbm>> -> memref<16x128xf32, #tpu.memory_space<hbm>>
    tpu.enqueue_dma source(%arg4 : memref<16x128xf32, #tpu.memory_space<vmem>>) target(%dma_start3A_819 : memref<16x128xf32, #tpu.memory_space<hbm>>) target_semaphore(%arg5 : memref<!tpu.dma_semaphore, #tpu.memory_space<semaphore_mem>>)
    %add3A_820 = arith.constant 160 : i32
    %add3A_821 = arith.addi %mul3A_2, %add3A_820 : i32
    %dma_start3A_822 = arith.constant 0 : i32
    %dma_start3A_823 = tpu.memref_slice %arg3[%add3A_821, %dma_start3A_822] : memref<4096x128xf32, #tpu.memory_space<hbm>> -> memref<16x128xf32, #tpu.memory_space<hbm>>
    %dma_start3A_824 = arith.constant 0 : i32
    %dma_start3A_825 = tpu.memref_slice %arg3[%add3A_821, %dma_start3A_824] : memref<4096x128xf32, #tpu.memory_space<hbm>> -> memref<16x128xf32, #tpu.memory_space<hbm>>
    tpu.enqueue_dma source(%arg4 : memref<16x128xf32, #tpu.memory_space<vmem>>) target(%dma_start3A_825 : memref<16x128xf32, #tpu.memory_space<hbm>>) target_semaphore(%arg5 : memref<!tpu.dma_semaphore, #tpu.memory_space<semaphore_mem>>)
    %add3A_826 = arith.constant 176 : i32
    %add3A_827 = arith.addi %mul3A_2, %add3A_826 : i32
    %dma_start3A_828 = arith.constant 0 : i32
    %dma_start3A_829 = tpu.memref_slice %arg3[%add3A_827, %dma_start3A_828] : memref<4096x128xf32, #tpu.memory_space<hbm>> -> memref<16x128xf32, #tpu.memory_space<hbm>>
    %dma_start3A_830 = arith.constant 0 : i32
    %dma_start3A_831 = tpu.memref_slice %arg3[%add3A_827, %dma_start3A_830] : memref<4096x128xf32, #tpu.memory_space<hbm>> -> memref<16x128xf32, #tpu.memory_space<hbm>>
    tpu.enqueue_dma source(%arg4 : memref<16x128xf32, #tpu.memory_space<vmem>>) target(%dma_start3A_831 : memref<16x128xf32, #tpu.memory_space<hbm>>) target_semaphore(%arg5 : memref<!tpu.dma_semaphore, #tpu.memory_space<semaphore_mem>>)
    %add3A_832 = arith.constant 192 : i32
    %add3A_833 = arith.addi %mul3A_2, %add3A_832 : i32
    %dma_start3A_834 = arith.constant 0 : i32
    %dma_start3A_835 = tpu.memref_slice %arg3[%add3A_833, %dma_start3A_834] : memref<4096x128xf32, #tpu.memory_space<hbm>> -> memref<16x128xf32, #tpu.memory_space<hbm>>
    %dma_start3A_836 = arith.constant 0 : i32
    %dma_start3A_837 = tpu.memref_slice %arg3[%add3A_833, %dma_start3A_836] : memref<4096x128xf32, #tpu.memory_space<hbm>> -> memref<16x128xf32, #tpu.memory_space<hbm>>
    tpu.enqueue_dma source(%arg4 : memref<16x128xf32, #tpu.memory_space<vmem>>) target(%dma_start3A_837 : memref<16x128xf32, #tpu.memory_space<hbm>>) target_semaphore(%arg5 : memref<!tpu.dma_semaphore, #tpu.memory_space<semaphore_mem>>)
    %add3A_838 = arith.constant 208 : i32
    %add3A_839 = arith.addi %mul3A_2, %add3A_838 : i32
    %dma_start3A_840 = arith.constant 0 : i32
    %dma_start3A_841 = tpu.memref_slice %arg3[%add3A_839, %dma_start3A_840] : memref<4096x128xf32, #tpu.memory_space<hbm>> -> memref<16x128xf32, #tpu.memory_space<hbm>>
    %dma_start3A_842 = arith.constant 0 : i32
    %dma_start3A_843 = tpu.memref_slice %arg3[%add3A_839, %dma_start3A_842] : memref<4096x128xf32, #tpu.memory_space<hbm>> -> memref<16x128xf32, #tpu.memory_space<hbm>>
    tpu.enqueue_dma source(%arg4 : memref<16x128xf32, #tpu.memory_space<vmem>>) target(%dma_start3A_843 : memref<16x128xf32, #tpu.memory_space<hbm>>) target_semaphore(%arg5 : memref<!tpu.dma_semaphore, #tpu.memory_space<semaphore_mem>>)
    %add3A_844 = arith.constant 224 : i32
    %add3A_845 = arith.addi %mul3A_2, %add3A_844 : i32
    %dma_start3A_846 = arith.constant 0 : i32
    %dma_start3A_847 = tpu.memref_slice %arg3[%add3A_845, %dma_start3A_846] : memref<4096x128xf32, #tpu.memory_space<hbm>> -> memref<16x128xf32, #tpu.memory_space<hbm>>
    %dma_start3A_848 = arith.constant 0 : i32
    %dma_start3A_849 = tpu.memref_slice %arg3[%add3A_845, %dma_start3A_848] : memref<4096x128xf32, #tpu.memory_space<hbm>> -> memref<16x128xf32, #tpu.memory_space<hbm>>
    tpu.enqueue_dma source(%arg4 : memref<16x128xf32, #tpu.memory_space<vmem>>) target(%dma_start3A_849 : memref<16x128xf32, #tpu.memory_space<hbm>>) target_semaphore(%arg5 : memref<!tpu.dma_semaphore, #tpu.memory_space<semaphore_mem>>)
    %add3A_850 = arith.constant 240 : i32
    %add3A_851 = arith.addi %mul3A_2, %add3A_850 : i32
    %dma_start3A_852 = arith.constant 0 : i32
    %dma_start3A_853 = tpu.memref_slice %arg3[%add3A_851, %dma_start3A_852] : memref<4096x128xf32, #tpu.memory_space<hbm>> -> memref<16x128xf32, #tpu.memory_space<hbm>>
    %dma_start3A_854 = arith.constant 0 : i32
    %dma_start3A_855 = tpu.memref_slice %arg3[%add3A_851, %dma_start3A_854] : memref<4096x128xf32, #tpu.memory_space<hbm>> -> memref<16x128xf32, #tpu.memory_space<hbm>>
    tpu.enqueue_dma source(%arg4 : memref<16x128xf32, #tpu.memory_space<vmem>>) target(%dma_start3A_855 : memref<16x128xf32, #tpu.memory_space<hbm>>) target_semaphore(%arg5 : memref<!tpu.dma_semaphore, #tpu.memory_space<semaphore_mem>>)
    %dma_wait3A = arith.constant 0 : i32
    %dma_wait3A_856 = tpu.memref_slice %arg3[%add3A_762, %dma_wait3A] : memref<4096x128xf32, #tpu.memory_space<hbm>> -> memref<16x128xf32, #tpu.memory_space<hbm>>
    %dma_wait3A_857 = arith.constant 0 : i32
    %dma_wait3A_858 = tpu.memref_slice %arg3[%add3A_762, %dma_wait3A_857] : memref<4096x128xf32, #tpu.memory_space<hbm>> -> memref<16x128xf32, #tpu.memory_space<hbm>>
    tpu.wait_dma2 semaphore(%arg5 : memref<!tpu.dma_semaphore, #tpu.memory_space<semaphore_mem>>) src(%arg4 : memref<16x128xf32, #tpu.memory_space<vmem>>) dst(%dma_wait3A_858 : memref<16x128xf32, #tpu.memory_space<hbm>>)
    %dma_wait3A_859 = arith.constant 0 : i32
    %dma_wait3A_860 = tpu.memref_slice %arg3[%add3A_767, %dma_wait3A_859] : memref<4096x128xf32, #tpu.memory_space<hbm>> -> memref<16x128xf32, #tpu.memory_space<hbm>>
    %dma_wait3A_861 = arith.constant 0 : i32
    %dma_wait3A_862 = tpu.memref_slice %arg3[%add3A_767, %dma_wait3A_861] : memref<4096x128xf32, #tpu.memory_space<hbm>> -> memref<16x128xf32, #tpu.memory_space<hbm>>
    tpu.wait_dma2 semaphore(%arg5 : memref<!tpu.dma_semaphore, #tpu.memory_space<semaphore_mem>>) src(%arg4 : memref<16x128xf32, #tpu.memory_space<vmem>>) dst(%dma_wait3A_862 : memref<16x128xf32, #tpu.memory_space<hbm>>)
    %dma_wait3A_863 = arith.constant 0 : i32
    %dma_wait3A_864 = tpu.memref_slice %arg3[%add3A_773, %dma_wait3A_863] : memref<4096x128xf32, #tpu.memory_space<hbm>> -> memref<16x128xf32, #tpu.memory_space<hbm>>
    %dma_wait3A_865 = arith.constant 0 : i32
    %dma_wait3A_866 = tpu.memref_slice %arg3[%add3A_773, %dma_wait3A_865] : memref<4096x128xf32, #tpu.memory_space<hbm>> -> memref<16x128xf32, #tpu.memory_space<hbm>>
    tpu.wait_dma2 semaphore(%arg5 : memref<!tpu.dma_semaphore, #tpu.memory_space<semaphore_mem>>) src(%arg4 : memref<16x128xf32, #tpu.memory_space<vmem>>) dst(%dma_wait3A_866 : memref<16x128xf32, #tpu.memory_space<hbm>>)
    %dma_wait3A_867 = arith.constant 0 : i32
    %dma_wait3A_868 = tpu.memref_slice %arg3[%add3A_779, %dma_wait3A_867] : memref<4096x128xf32, #tpu.memory_space<hbm>> -> memref<16x128xf32, #tpu.memory_space<hbm>>
    %dma_wait3A_869 = arith.constant 0 : i32
    %dma_wait3A_870 = tpu.memref_slice %arg3[%add3A_779, %dma_wait3A_869] : memref<4096x128xf32, #tpu.memory_space<hbm>> -> memref<16x128xf32, #tpu.memory_space<hbm>>
    tpu.wait_dma2 semaphore(%arg5 : memref<!tpu.dma_semaphore, #tpu.memory_space<semaphore_mem>>) src(%arg4 : memref<16x128xf32, #tpu.memory_space<vmem>>) dst(%dma_wait3A_870 : memref<16x128xf32, #tpu.memory_space<hbm>>)
    %dma_wait3A_871 = arith.constant 0 : i32
    %dma_wait3A_872 = tpu.memref_slice %arg3[%add3A_785, %dma_wait3A_871] : memref<4096x128xf32, #tpu.memory_space<hbm>> -> memref<16x128xf32, #tpu.memory_space<hbm>>
    %dma_wait3A_873 = arith.constant 0 : i32
    %dma_wait3A_874 = tpu.memref_slice %arg3[%add3A_785, %dma_wait3A_873] : memref<4096x128xf32, #tpu.memory_space<hbm>> -> memref<16x128xf32, #tpu.memory_space<hbm>>
    tpu.wait_dma2 semaphore(%arg5 : memref<!tpu.dma_semaphore, #tpu.memory_space<semaphore_mem>>) src(%arg4 : memref<16x128xf32, #tpu.memory_space<vmem>>) dst(%dma_wait3A_874 : memref<16x128xf32, #tpu.memory_space<hbm>>)
    %dma_wait3A_875 = arith.constant 0 : i32
    %dma_wait3A_876 = tpu.memref_slice %arg3[%add3A_791, %dma_wait3A_875] : memref<4096x128xf32, #tpu.memory_space<hbm>> -> memref<16x128xf32, #tpu.memory_space<hbm>>
    %dma_wait3A_877 = arith.constant 0 : i32
    %dma_wait3A_878 = tpu.memref_slice %arg3[%add3A_791, %dma_wait3A_877] : memref<4096x128xf32, #tpu.memory_space<hbm>> -> memref<16x128xf32, #tpu.memory_space<hbm>>
    tpu.wait_dma2 semaphore(%arg5 : memref<!tpu.dma_semaphore, #tpu.memory_space<semaphore_mem>>) src(%arg4 : memref<16x128xf32, #tpu.memory_space<vmem>>) dst(%dma_wait3A_878 : memref<16x128xf32, #tpu.memory_space<hbm>>)
    %dma_wait3A_879 = arith.constant 0 : i32
    %dma_wait3A_880 = tpu.memref_slice %arg3[%add3A_797, %dma_wait3A_879] : memref<4096x128xf32, #tpu.memory_space<hbm>> -> memref<16x128xf32, #tpu.memory_space<hbm>>
    %dma_wait3A_881 = arith.constant 0 : i32
    %dma_wait3A_882 = tpu.memref_slice %arg3[%add3A_797, %dma_wait3A_881] : memref<4096x128xf32, #tpu.memory_space<hbm>> -> memref<16x128xf32, #tpu.memory_space<hbm>>
    tpu.wait_dma2 semaphore(%arg5 : memref<!tpu.dma_semaphore, #tpu.memory_space<semaphore_mem>>) src(%arg4 : memref<16x128xf32, #tpu.memory_space<vmem>>) dst(%dma_wait3A_882 : memref<16x128xf32, #tpu.memory_space<hbm>>)
    %dma_wait3A_883 = arith.constant 0 : i32
    %dma_wait3A_884 = tpu.memref_slice %arg3[%add3A_803, %dma_wait3A_883] : memref<4096x128xf32, #tpu.memory_space<hbm>> -> memref<16x128xf32, #tpu.memory_space<hbm>>
    %dma_wait3A_885 = arith.constant 0 : i32
    %dma_wait3A_886 = tpu.memref_slice %arg3[%add3A_803, %dma_wait3A_885] : memref<4096x128xf32, #tpu.memory_space<hbm>> -> memref<16x128xf32, #tpu.memory_space<hbm>>
    tpu.wait_dma2 semaphore(%arg5 : memref<!tpu.dma_semaphore, #tpu.memory_space<semaphore_mem>>) src(%arg4 : memref<16x128xf32, #tpu.memory_space<vmem>>) dst(%dma_wait3A_886 : memref<16x128xf32, #tpu.memory_space<hbm>>)
    %dma_wait3A_887 = arith.constant 0 : i32
    %dma_wait3A_888 = tpu.memref_slice %arg3[%add3A_809, %dma_wait3A_887] : memref<4096x128xf32, #tpu.memory_space<hbm>> -> memref<16x128xf32, #tpu.memory_space<hbm>>
    %dma_wait3A_889 = arith.constant 0 : i32
    %dma_wait3A_890 = tpu.memref_slice %arg3[%add3A_809, %dma_wait3A_889] : memref<4096x128xf32, #tpu.memory_space<hbm>> -> memref<16x128xf32, #tpu.memory_space<hbm>>
    tpu.wait_dma2 semaphore(%arg5 : memref<!tpu.dma_semaphore, #tpu.memory_space<semaphore_mem>>) src(%arg4 : memref<16x128xf32, #tpu.memory_space<vmem>>) dst(%dma_wait3A_890 : memref<16x128xf32, #tpu.memory_space<hbm>>)
    %dma_wait3A_891 = arith.constant 0 : i32
    %dma_wait3A_892 = tpu.memref_slice %arg3[%add3A_815, %dma_wait3A_891] : memref<4096x128xf32, #tpu.memory_space<hbm>> -> memref<16x128xf32, #tpu.memory_space<hbm>>
    %dma_wait3A_893 = arith.constant 0 : i32
    %dma_wait3A_894 = tpu.memref_slice %arg3[%add3A_815, %dma_wait3A_893] : memref<4096x128xf32, #tpu.memory_space<hbm>> -> memref<16x128xf32, #tpu.memory_space<hbm>>
    tpu.wait_dma2 semaphore(%arg5 : memref<!tpu.dma_semaphore, #tpu.memory_space<semaphore_mem>>) src(%arg4 : memref<16x128xf32, #tpu.memory_space<vmem>>) dst(%dma_wait3A_894 : memref<16x128xf32, #tpu.memory_space<hbm>>)
    %dma_wait3A_895 = arith.constant 0 : i32
    %dma_wait3A_896 = tpu.memref_slice %arg3[%add3A_821, %dma_wait3A_895] : memref<4096x128xf32, #tpu.memory_space<hbm>> -> memref<16x128xf32, #tpu.memory_space<hbm>>
    %dma_wait3A_897 = arith.constant 0 : i32
    %dma_wait3A_898 = tpu.memref_slice %arg3[%add3A_821, %dma_wait3A_897] : memref<4096x128xf32, #tpu.memory_space<hbm>> -> memref<16x128xf32, #tpu.memory_space<hbm>>
    tpu.wait_dma2 semaphore(%arg5 : memref<!tpu.dma_semaphore, #tpu.memory_space<semaphore_mem>>) src(%arg4 : memref<16x128xf32, #tpu.memory_space<vmem>>) dst(%dma_wait3A_898 : memref<16x128xf32, #tpu.memory_space<hbm>>)
    %dma_wait3A_899 = arith.constant 0 : i32
    %dma_wait3A_900 = tpu.memref_slice %arg3[%add3A_827, %dma_wait3A_899] : memref<4096x128xf32, #tpu.memory_space<hbm>> -> memref<16x128xf32, #tpu.memory_space<hbm>>
    %dma_wait3A_901 = arith.constant 0 : i32
    %dma_wait3A_902 = tpu.memref_slice %arg3[%add3A_827, %dma_wait3A_901] : memref<4096x128xf32, #tpu.memory_space<hbm>> -> memref<16x128xf32, #tpu.memory_space<hbm>>
    tpu.wait_dma2 semaphore(%arg5 : memref<!tpu.dma_semaphore, #tpu.memory_space<semaphore_mem>>) src(%arg4 : memref<16x128xf32, #tpu.memory_space<vmem>>) dst(%dma_wait3A_902 : memref<16x128xf32, #tpu.memory_space<hbm>>)
    %dma_wait3A_903 = arith.constant 0 : i32
    %dma_wait3A_904 = tpu.memref_slice %arg3[%add3A_833, %dma_wait3A_903] : memref<4096x128xf32, #tpu.memory_space<hbm>> -> memref<16x128xf32, #tpu.memory_space<hbm>>
    %dma_wait3A_905 = arith.constant 0 : i32
    %dma_wait3A_906 = tpu.memref_slice %arg3[%add3A_833, %dma_wait3A_905] : memref<4096x128xf32, #tpu.memory_space<hbm>> -> memref<16x128xf32, #tpu.memory_space<hbm>>
    tpu.wait_dma2 semaphore(%arg5 : memref<!tpu.dma_semaphore, #tpu.memory_space<semaphore_mem>>) src(%arg4 : memref<16x128xf32, #tpu.memory_space<vmem>>) dst(%dma_wait3A_906 : memref<16x128xf32, #tpu.memory_space<hbm>>)
    %dma_wait3A_907 = arith.constant 0 : i32
    %dma_wait3A_908 = tpu.memref_slice %arg3[%add3A_839, %dma_wait3A_907] : memref<4096x128xf32, #tpu.memory_space<hbm>> -> memref<16x128xf32, #tpu.memory_space<hbm>>
    %dma_wait3A_909 = arith.constant 0 : i32
    %dma_wait3A_910 = tpu.memref_slice %arg3[%add3A_839, %dma_wait3A_909] : memref<4096x128xf32, #tpu.memory_space<hbm>> -> memref<16x128xf32, #tpu.memory_space<hbm>>
    tpu.wait_dma2 semaphore(%arg5 : memref<!tpu.dma_semaphore, #tpu.memory_space<semaphore_mem>>) src(%arg4 : memref<16x128xf32, #tpu.memory_space<vmem>>) dst(%dma_wait3A_910 : memref<16x128xf32, #tpu.memory_space<hbm>>)
    %dma_wait3A_911 = arith.constant 0 : i32
    %dma_wait3A_912 = tpu.memref_slice %arg3[%add3A_845, %dma_wait3A_911] : memref<4096x128xf32, #tpu.memory_space<hbm>> -> memref<16x128xf32, #tpu.memory_space<hbm>>
    %dma_wait3A_913 = arith.constant 0 : i32
    %dma_wait3A_914 = tpu.memref_slice %arg3[%add3A_845, %dma_wait3A_913] : memref<4096x128xf32, #tpu.memory_space<hbm>> -> memref<16x128xf32, #tpu.memory_space<hbm>>
    tpu.wait_dma2 semaphore(%arg5 : memref<!tpu.dma_semaphore, #tpu.memory_space<semaphore_mem>>) src(%arg4 : memref<16x128xf32, #tpu.memory_space<vmem>>) dst(%dma_wait3A_914 : memref<16x128xf32, #tpu.memory_space<hbm>>)
    %dma_wait3A_915 = arith.constant 0 : i32
    %dma_wait3A_916 = tpu.memref_slice %arg3[%add3A_851, %dma_wait3A_915] : memref<4096x128xf32, #tpu.memory_space<hbm>> -> memref<16x128xf32, #tpu.memory_space<hbm>>
    %dma_wait3A_917 = arith.constant 0 : i32
    %dma_wait3A_918 = tpu.memref_slice %arg3[%add3A_851, %dma_wait3A_917] : memref<4096x128xf32, #tpu.memory_space<hbm>> -> memref<16x128xf32, #tpu.memory_space<hbm>>
    tpu.wait_dma2 semaphore(%arg5 : memref<!tpu.dma_semaphore, #tpu.memory_space<semaphore_mem>>) src(%arg4 : memref<16x128xf32, #tpu.memory_space<vmem>>) dst(%dma_wait3A_918 : memref<16x128xf32, #tpu.memory_space<hbm>>)
    return
  }
}

</mosaic_0001>

<sc_bundles>
// kernel: kernel.3.cloned.1.call-start
scs
__scs_entry_jumppad:
0x0: {  	(pc) =	sbr.rel $0x88, $3  }
0x1: {  	(tag) =	ssettag $0x0;
	lr =	simm.s32 $0x1  }
0x2: {  	[smem:$0x3FA0] =	sst lr;
	_ =	strace $0xD0000000  }
0x3: {  	_ = 	snop  }
0x4: {  	_ = 	snop  }
0x5: {  	_ = 	snop  }
0x6: {  	_ = 	snop  }
0x7: {  	_ = 	snop  }
__scs_overlays_trampoline_lowered:
0x8: {  	[smem:$0x3FAF] =	sst s0  }
0x9: {  	[smem:$0x3FB0] =	sst s1  }
0xa: {  	[smem:$0x3FB1] =	sst s2  }
0xb: {  	[smem:$0x3FB2] =	sst s3  }
0xc: {  	[smem:$0x3FB3] =	sst s4  }
0xd: {  	[smem:$0x3FB4] =	sst s5  }
0xe: {  	[smem:$0x3FB5] =	sst s6  }
0xf: {  	[smem:$0x3FB6] =	sst s7  }
0x10: {  	[smem:$0x3FB7] =	sst s8  }
0x11: {  	[smem:$0x3FB8] =	sst s9;
	s0 =	simm.s32 @!p0 $0x0  }
0x12: {  	s1 =	sld [smem:$0x3F9E];
	s0 =	simm.s32 @p0 $0x1  }
0x13: {  	[smem:$0x3FB9] =	sst s0;
	s0 =	simm.s32 @!p1 $0x0  }
0x14: {  	s2 =	sld [smem:$0x3F9D];
	s0 =	simm.s32 @p1 $0x1  }
0x15: {  	[smem:$0x3FBA] =	sst s0;
	s0 =	simm.s32 @!p2 $0x0  }
0x16: {  	s3 =	sld [smem:$0x3FDB];
	s0 =	simm.s32 @p2 $0x1  }
0x17: {  	s4 =	simm.s32 $0x1BF5;
	[smem:$0x3FBC] =	sst s0  }
0x18: {  	s0 =	sld [smem:$0x3F9F];
	_ =	swait.ge [sflag:s4], $0x0  }
0x19: {  	s7 =	sld [smem:$0x3FA0]  }
0x1a: {  	s8 =	sadd.s32 $0xFFFFE003, lr  }
0x1b: {  	s9 =	sadd.s32 $0xFFFFFEF7, lr;
	s5 =	simm.s32 $0xFFFFFFFF;
	p2 =	slt.u32 s8, $0xFFFFF086  }
0x1c: {  	p1 =	slt.u32 s9, $0xF7A;
	s5 =	simm.s32 @!p2 $0x0  }
0x1d: {  	s5 =	simm.s32 @p1 $0x1;
	p0 =	seq.s32 s7, s2  }
0x1e: {  	s7 =	smul.u32 @!p0 $0xF7A, s2;
	p2 =	seq.s32 @!p0 s5, $0x0  }
0x1f: {  	s9 =	smul.u32 $0xF7A, s1;
	s8 =	simm.s32 @!p0 $0x1BF5;
	p2 =	por !p2, p0  }
0x20: {  	[sflag:s8] =	ssyncset.s32 @!p0 $0xFFFFF086;
	s6 =	sadd.s32 @!p0 s3, s7;
	s7 =	simm.s32 @!p0 $0x108  }
0x21: {  	s3 =	sadd.s32 s3, s9;
	s6 =	sadd.s32 @!p0 $0x88, s6;
	s7 =	simm.s32 @p2 $0x1082  }
0x22: {  	[simem:s7], [sflag:s8] =	dma.local @!p0 [hbm:s6], $0xF7A  }
0x23: {  	s9 =	sor.u32 $0xD0000000, s2;
	s6 =	simm.s32 $0x108;
	_ =	swait.ge @!p0 [sflag:s8], $0x0  }
0x24: {  	s3 =	sadd.s32 $0x88, s3;
	s6 =	simm.s32 @!p1 $0x1082;
	[sflag:s4] =	ssyncset.s32 $0xFFFFF086  }
0x25: {  	[simem:s6], [sflag:s4] =	dma.local [hbm:s3], $0xF7A  }
0x26: {  	[smem:$0x3FA0] =	sst s1;
	(tag) =	ssettag s2;
	_ =	strace s9  }
0x27: {  	s1 =	sld [smem:$0x3FB0]  }
0x28: {  	s2 =	sld [smem:$0x3FB1]  }
0x29: {  	s4 =	sld [smem:$0x3FB3]  }
0x2a: {  	p0 =	seq.s32 s5, $0x0;
	s5 =	sld [smem:$0x3FB4]  }
0x2b: {  	s6 =	sld [smem:$0x3FB5]  }
0x2c: {  	s7 =	sld [smem:$0x3FB6]  }
0x2d: {  	s3 =	simm.s32 $0x108;
	s8 =	sld [smem:$0x3FB7]  }
0x2e: {  	s3 =	simm.s32 @!p0 $0x1082;
	s9 =	sld [smem:$0x3FB8]  }
0x2f: {  	lr =	sadd.s32 s0, s3;
	s0 =	sld [smem:$0x3FAF]  }
0x30: {  	s3 =	sld [smem:$0x3FB2]  }
0x31: {  	[smem:$0x3FBB] =	sst s10  }
0x32: {  	s10 =	sld [smem:$0x3FB9];
	_ =	sdelay $0x3  }
0x33: {  	p0 =	seq.s32 s10, $0x1;
	s10 =	sld [smem:$0x3FBB];
	_ =	sdelay $0x3  }
0x34: {  	[smem:$0x3FBB] =	sst s10  }
0x35: {  	s10 =	sld [smem:$0x3FBA];
	_ =	sdelay $0x3  }
0x36: {  	p1 =	seq.s32 s10, $0x1;
	s10 =	sld [smem:$0x3FBB];
	_ =	sdelay $0x3  }
0x37: {  	[smem:$0x3FBB] =	sst s10  }
0x38: {  	s10 =	sld [smem:$0x3FBC]  }
0x39: {  	_ = 	snop;
	(pc) =	sbr.ind lr, $3  }
0x3a: {  	_ = 	snop  }
0x3b: {  	_ = 	snop  }
0x3c: {  	p2 =	seq.s32 s10, $0x1;
	s10 =	sld [smem:$0x3FBB]  }
0x3d: {  	_ =	shalt  }
0x3e: {  	_ =	shalt  }
0x3f: {  	_ =	shalt  }
0x40: {  	_ =	shalt  }
0x41: {  	_ =	shalt  }
0x42: {  	_ =	shalt  }
0x43: {  	_ =	shalt  }
0x44: {  	_ =	shalt  }
0x45: {  	_ =	shalt  }
0x46: {  	_ =	shalt  }
0x47: {  	_ =	shalt  }
0x48: {  	_ =	shalt  }
0x49: {  	_ =	shalt  }
0x4a: {  	_ =	shalt  }
0x4b: {  	_ =	shalt  }
0x4c: {  	_ =	shalt  }
0x4d: {  	_ =	shalt  }
0x4e: {  	_ =	shalt  }
0x4f: {  	_ =	shalt  }
0x50: {  	_ =	shalt  }
0x51: {  	_ =	shalt  }
0x52: {  	_ =	shalt  }
0x53: {  	_ =	shalt  }
0x54: {  	_ =	shalt  }
0x55: {  	_ =	shalt  }
0x56: {  	_ =	shalt  }
0x57: {  	_ =	shalt  }
0x58: {  	_ =	shalt  }
0x59: {  	_ =	shalt  }
0x5a: {  	_ =	shalt  }
0x5b: {  	_ =	shalt  }
0x5c: {  	_ =	shalt  }
0x5d: {  	_ =	shalt  }
0x5e: {  	_ =	shalt  }
0x5f: {  	_ =	shalt  }
0x60: {  	_ =	shalt  }
0x61: {  	_ =	shalt  }
0x62: {  	_ =	shalt  }
0x63: {  	_ =	shalt  }
0x64: {  	_ =	shalt  }
0x65: {  	_ =	shalt  }
0x66: {  	_ =	shalt  }
0x67: {  	_ =	shalt  }
0x68: {  	_ =	shalt  }
0x69: {  	_ =	shalt  }
0x6a: {  	_ =	shalt  }
0x6b: {  	_ =	shalt  }
0x6c: {  	_ =	shalt  }
0x6d: {  	_ =	shalt  }
0x6e: {  	_ =	shalt  }
0x6f: {  	_ =	shalt  }
0x70: {  	_ =	shalt  }
0x71: {  	_ =	shalt  }
0x72: {  	_ =	shalt  }
0x73: {  	_ =	shalt  }
0x74: {  	_ =	shalt  }
0x75: {  	_ =	shalt  }
0x76: {  	_ =	shalt  }
0x77: {  	_ =	shalt  }
0x78: {  	_ =	shalt  }
0x79: {  	_ =	shalt  }
0x7a: {  	_ =	shalt  }
0x7b: {  	_ =	shalt  }
0x7c: {  	_ =	shalt  }
0x7d: {  	_ =	shalt  }
0x7e: {  	_ =	shalt  }
0x7f: {  	_ =	shalt  }
0x80: {  	_ =	shalt  }
0x81: {  	_ =	shalt  }
0x82: {  	_ =	shalt  }
0x83: {  	_ =	shalt  }
0x84: {  	_ =	shalt  }
0x85: {  	_ =	shalt  }
0x86: {  	_ =	shalt  }
0x87: {  	_ =	shalt  }
.Lfunc_end0:
.L_simem_size_0:
called_computation_lowered:
.L_overlay_start_0:
0x88: {  	s0 =	sld [smem:$0x3FD9]  }
0x89: {  	s1 =	sld [smem:$0x3FFE];
	_ =	sdelay $0x3  }
0x8a: {  	s0 =	sadd.s32 s1, s0  }
0x8b: {  	[smem:$0x3FC7] =	sst s0  }
0x8c: {  	_ = 	snop  }
0x8d: {  	s0 =	sld [smem:$0x3FC9]  }
0x8e: {  	s17 =	sld [smem:$0x3FD0];
	(tm) =	ssettm $0x1  }
0x8f: {  	s2 =	sld [smem:$0x3FFB];
	_ =	sdelay $0x3  }
0x90: {  	_ =	strace s2  }
0x91: {  	s2 =	sld [smem:$0x3FFC];
	_ =	sdelay $0x3  }
0x92: {  	_ =	strace s2  }
0x93: {  	s2 =	sld [smem:$0x3FFD];
	_ =	sdelay $0x3  }
0x94: {  	_ =	strace s2  }
0x95: {  	_ =	strace $0x8FFFFFFF  }
0x96: {  	s18 =	sld [smem:$0x3FDB];
	_ =	sdelay $0x1  }
0x97: {  	s3 =	simm.s32 $_scs_section_size  }
0x98: {  	s4 =	simm.s32 $_size__tile_overlayer_lowered;
	s5 =	simm.s32 $_tile_overlayer_lowered  }
0x99: {  	s21 =	simm.s32 $0x1BFF;
	s20 =	sshll.u32 s5, $0x1;
	s2 =	sadd.s32 s3, s18  }
0x9a: {  	s6 =	simm.s32 $0x0;
	s19 =	sshll.u32 s4, $0x1;
	s4 =	sadd.s32 s20, s2  }
0x9b: {  	[timem:s6], [sflag:s21] =	dma.local [hbm:s4], s19  }
0x9c: {  	_ =	swait.ge [sflag:s21], s19  }
0x9d: {  	s3 =	ssub.s32 $0x0, s19;
	[sflag:s21] =	ssyncset.done $0x0  }
0x9e: {  	[sflag:s21] =	ssyncadd.s32 s3;
	_ =	sdelay $0x1  }
0x9f: {  	s22 =	simm.s32 $0x1B8B  }
0xa0: {  	_ =	swait.ge [sflag:s22], $0x1  }
0xa1: {  	[sflag:s22] =	ssyncset.done $0x0  }
0xa2: {  	s23 =	simm.s32 $0x1B8E;
	[sflag:s22] =	ssyncadd.s32 $0xFFFFFFFF  }
0xa3: {  	s24 =	simm.s32 $execute0_lowered;
	[smem:$0x3FD2] =	sst s23  }
0xa4: {  	s3 =	sshll.u32 s24, $0x1;
	_ =	strace $0x80000046;
	[dreg:$0x1] =	wrdreg $0xFFFFFFFF  }
0xa5: {  	s25 =	simm.s32 $_size_execute0_lowered;
	s2 =	sadd.s32 s2, s3;
	[dreg:$0x0] =	wrdreg $0x0  }
0xa6: {  	s3 =	sshll.u32 s25, $0x1;
	[dreg:$0x2] =	wrdreg s2  }
0xa7: {  	[dreg:$0x3] =	wrdreg s3  }
0xa8: {  	[dreg:$0x4] =	wrdreg $0xC0  }
0xa9: {  	_ =	task [dreg:s6], $0x5FFFF  }
0xaa: {  	[dreg:$0x1] =	wrdreg $0xFFFFFFFF  }
0xab: {  	[dreg:$0x0] =	wrdreg $0x60  }
0xac: {  	[dreg:$0x2] =	wrdreg s0  }
0xad: {  	[dreg:$0x3] =	wrdreg s17  }
0xae: {  	[dreg:$0x4] =	wrdreg $0x9  }
0xaf: {  	_ =	task.clear_ibuf [dreg:s6], $0x5FFFF;
	_ =	strace $0x90000046  }
0xb0: {  	s26 =	simm.s32 $0x9;
	_ =	strace $0x80000048  }
0xb1: {  	_ =	swait.ge [sflag:s26], $0x1  }
0xb2: {  	[sflag:s26] =	ssyncadd.s32 $0xFFFFFFFF  }
0xb3: {  	_ =	strace $0x90000048  }
0xb4: {  	_ =	sfence  }
0xb5: {  	s28 =	sld [smem:$0x0];
	_ =	sdelay $0x1  }
0xb6: {  	s29 =	srdreg.scid  }
0xb7: {  	s30 =	sshll.u32 s29, $0xD;
	s31 =	sshrl.u32 s29, $0x2  }
0xb8: {  	s1 =	sand.u32 $0x1, s29;
	s2 =	sand.u32 $0x4000, s30;
	s0 =	sadd.s32 s31, s28  }
0xb9: {  	s1 =	sor.u32 s2, s1;
	s0 =	sshll.u32 s0, $0x11  }
0xba: {  	s0 =	sor.u32 s0, s1  }
0xbb: {  	s0 =	sadd.s32 $0x8F2B, s0  }
0xbc: {  	[sflag:s0] =	ssyncadd.remote.s32 $0x1  }
0xbd: {  	_ =	sfence.sel $0xFFFF  }
0xbe: {  	[dreg:$0x0] =	wrdreg $0xFFFFFFFF;
	(pc) =	sbr.abs _section_cstart, $3  }
0xbf: {  	[dreg:$0x1] =	wrdreg $0xFFFFFFFF  }
0xc0: {  	_ =	task.clear_ibuf [dreg:s6], $0x2FFFF;
	_ =	strace $0x9FFFFFFF  }
0xc1: {  	(tm) =	ssettm $0x7FFFFFFF  }
tec
execute0_lowered:
.L_overlay_start_1:
0x0: {  	(tag) =	ssettag $0x1  }
0x1: {  	s3 =	rddreg [dreg:$0x0]  }
0x2: {  	s2 =	rddreg [dreg:$0x1]  }
0x3: {  	s0 =	rddreg [dreg:$0x2];
	s1 =	simm.s32 $0x0  }
0x4: {  	[smem:$0x7FF] =	sst s1  }
0x5: {  	s15 =	simm.s32 $0x2;
	s3 =	sadd.s32 $0x320, s3;
	_ =	strace $0x80000047  }
0x6: {  	[tilespmem:s1], [sflag:$0x2] =	stream.linear.gather [hbm4b:s3+s1], $0x80, $0x38;
	[tilespmem:$0x800] =	vst v63  }
0x7: {  	_ =	swait.ge [sflag:s15], $0x80  }
0x8: {  	[sflag:s15] =	ssyncset.done $0x0  }
0x9: {  	[sflag:s15] =	ssyncadd.s32 $0xFFFFFF80  }
0xa: {  	v0 =	vld [tilespmem:$0x0]  }
0xb: {  	v1 =	vld [tilespmem:$0x10]  }
0xc: {  	v2 =	vld [tilespmem:$0x20]  }
0xd: {  	v3 =	vld [tilespmem:$0x30]  }
0xe: {  	v4 =	vld [tilespmem:$0x40]  }
0xf: {  	v5 =	vld [tilespmem:$0x50];
	[tilespmem:$0x80] =	vst v0  }
0x10: {  	v6 =	vld [tilespmem:$0x60];
	[tilespmem:$0x90] =	vst v1  }
0x11: {  	v7 =	vld [tilespmem:$0x70];
	[tilespmem:$0xA0] =	vst v2  }
0x12: {  	[tilespmem:$0xB0] =	vst v3  }
0x13: {  	[tilespmem:$0xC0] =	vst v4  }
0x14: {  	[tilespmem:$0xD0] =	vst v5  }
0x15: {  	[tilespmem:$0xE0] =	vst v6  }
0x16: {  	[tilespmem:$0xF0] =	vst v7  }
0x17: {  	[tilespmem:$0x100] =	vst v0  }
0x18: {  	[tilespmem:$0x110] =	vst v1  }
0x19: {  	[tilespmem:$0x120] =	vst v2  }
0x1a: {  	[tilespmem:$0x130] =	vst v3  }
0x1b: {  	[tilespmem:$0x140] =	vst v4  }
0x1c: {  	[tilespmem:$0x150] =	vst v5  }
0x1d: {  	[tilespmem:$0x160] =	vst v6  }
0x1e: {  	[tilespmem:$0x170] =	vst v7  }
0x1f: {  	[tilespmem:$0x180] =	vst v0  }
0x20: {  	[tilespmem:$0x190] =	vst v1  }
0x21: {  	[tilespmem:$0x1A0] =	vst v2  }
0x22: {  	[tilespmem:$0x1B0] =	vst v3  }
0x23: {  	[tilespmem:$0x1C0] =	vst v4  }
0x24: {  	[tilespmem:$0x1D0] =	vst v5  }
0x25: {  	[tilespmem:$0x1E0] =	vst v6  }
0x26: {  	[tilespmem:$0x1F0] =	vst v7  }
0x27: {  	[tilespmem:$0x200] =	vst v0  }
0x28: {  	[tilespmem:$0x210] =	vst v1  }
0x29: {  	[tilespmem:$0x220] =	vst v2  }
0x2a: {  	[tilespmem:$0x230] =	vst v3  }
0x2b: {  	[tilespmem:$0x240] =	vst v4  }
0x2c: {  	[tilespmem:$0x250] =	vst v5  }
0x2d: {  	[tilespmem:$0x260] =	vst v6  }
0x2e: {  	[tilespmem:$0x270] =	vst v7  }
0x2f: {  	[tilespmem:$0x280] =	vst v0  }
0x30: {  	[tilespmem:$0x290] =	vst v1  }
0x31: {  	[tilespmem:$0x2A0] =	vst v2  }
0x32: {  	[tilespmem:$0x2B0] =	vst v3  }
0x33: {  	[tilespmem:$0x2C0] =	vst v4  }
0x34: {  	[tilespmem:$0x2D0] =	vst v5  }
0x35: {  	[tilespmem:$0x2E0] =	vst v6  }
0x36: {  	[tilespmem:$0x2F0] =	vst v7  }
0x37: {  	[tilespmem:$0x300] =	vst v0  }
0x38: {  	[tilespmem:$0x310] =	vst v1  }
0x39: {  	[tilespmem:$0x320] =	vst v2  }
0x3a: {  	[tilespmem:$0x330] =	vst v3  }
0x3b: {  	[tilespmem:$0x340] =	vst v4  }
0x3c: {  	[tilespmem:$0x350] =	vst v5  }
0x3d: {  	[tilespmem:$0x360] =	vst v6  }
0x3e: {  	[tilespmem:$0x370] =	vst v7  }
0x3f: {  	[tilespmem:$0x380] =	vst v0  }
0x40: {  	[tilespmem:$0x390] =	vst v1  }
0x41: {  	[tilespmem:$0x3A0] =	vst v2  }
0x42: {  	[tilespmem:$0x3B0] =	vst v3  }
0x43: {  	[tilespmem:$0x3C0] =	vst v4  }
0x44: {  	[tilespmem:$0x3D0] =	vst v5  }
0x45: {  	[tilespmem:$0x3E0] =	vst v6  }
0x46: {  	[tilespmem:$0x3F0] =	vst v7  }
0x47: {  	[tilespmem:$0x400] =	vst v0  }
0x48: {  	[tilespmem:$0x410] =	vst v1  }
0x49: {  	[tilespmem:$0x420] =	vst v2  }
0x4a: {  	[tilespmem:$0x430] =	vst v3  }
0x4b: {  	[tilespmem:$0x440] =	vst v4  }
0x4c: {  	[tilespmem:$0x450] =	vst v5  }
0x4d: {  	[tilespmem:$0x460] =	vst v6  }
0x4e: {  	[tilespmem:$0x470] =	vst v7  }
0x4f: {  	[tilespmem:$0x480] =	vst v0  }
0x50: {  	[tilespmem:$0x490] =	vst v1  }
0x51: {  	[tilespmem:$0x4A0] =	vst v2  }
0x52: {  	[tilespmem:$0x4B0] =	vst v3  }
0x53: {  	[tilespmem:$0x4C0] =	vst v4  }
0x54: {  	[tilespmem:$0x4D0] =	vst v5  }
0x55: {  	[tilespmem:$0x4E0] =	vst v6  }
0x56: {  	[tilespmem:$0x4F0] =	vst v7  }
0x57: {  	[tilespmem:$0x500] =	vst v0  }
0x58: {  	[tilespmem:$0x510] =	vst v1  }
0x59: {  	[tilespmem:$0x520] =	vst v2  }
0x5a: {  	[tilespmem:$0x530] =	vst v3  }
0x5b: {  	[tilespmem:$0x540] =	vst v4  }
0x5c: {  	[tilespmem:$0x550] =	vst v5  }
0x5d: {  	[tilespmem:$0x560] =	vst v6  }
0x5e: {  	[tilespmem:$0x570] =	vst v7  }
0x5f: {  	[tilespmem:$0x580] =	vst v0  }
0x60: {  	[tilespmem:$0x590] =	vst v1  }
0x61: {  	[tilespmem:$0x5A0] =	vst v2  }
0x62: {  	[tilespmem:$0x5B0] =	vst v3  }
0x63: {  	[tilespmem:$0x5C0] =	vst v4  }
0x64: {  	[tilespmem:$0x5D0] =	vst v5  }
0x65: {  	[tilespmem:$0x5E0] =	vst v6  }
0x66: {  	[tilespmem:$0x5F0] =	vst v7  }
0x67: {  	[tilespmem:$0x600] =	vst v0  }
0x68: {  	[tilespmem:$0x610] =	vst v1  }
0x69: {  	[tilespmem:$0x620] =	vst v2  }
0x6a: {  	[tilespmem:$0x630] =	vst v3  }
0x6b: {  	[tilespmem:$0x640] =	vst v4  }
0x6c: {  	[tilespmem:$0x650] =	vst v5  }
0x6d: {  	[tilespmem:$0x660] =	vst v6  }
0x6e: {  	[tilespmem:$0x670] =	vst v7  }
0x6f: {  	[tilespmem:$0x680] =	vst v0  }
0x70: {  	[tilespmem:$0x690] =	vst v1  }
0x71: {  	[tilespmem:$0x6A0] =	vst v2  }
0x72: {  	[tilespmem:$0x6B0] =	vst v3  }
0x73: {  	[tilespmem:$0x6C0] =	vst v4  }
0x74: {  	[tilespmem:$0x6D0] =	vst v5  }
0x75: {  	[tilespmem:$0x6E0] =	vst v6  }
0x76: {  	[tilespmem:$0x6F0] =	vst v7  }
0x77: {  	[tilespmem:$0x700] =	vst v0  }
0x78: {  	[tilespmem:$0x710] =	vst v1  }
0x79: {  	[tilespmem:$0x720] =	vst v2  }
0x7a: {  	[tilespmem:$0x730] =	vst v3  }
0x7b: {  	[tilespmem:$0x740] =	vst v4  }
0x7c: {  	[tilespmem:$0x750] =	vst v5  }
0x7d: {  	[tilespmem:$0x760] =	vst v6  }
0x7e: {  	[tilespmem:$0x770] =	vst v7  }
0x7f: {  	[tilespmem:$0x780] =	vst v0  }
0x80: {  	[tilespmem:$0x790] =	vst v1  }
0x81: {  	[tilespmem:$0x7A0] =	vst v2  }
0x82: {  	[tilespmem:$0x7B0] =	vst v3  }
0x83: {  	[tilespmem:$0x7C0] =	vst v4  }
0x84: {  	s16 =	stileid.u32;
	[tilespmem:$0x7D0] =	vst v5  }
0x85: {  	s4 =	sshll.u32 s16, $0xC;
	[tilespmem:$0x7E0] =	vst v6  }
0x86: {  	s2 =	sadd.s32 s2, s4;
	[tilespmem:$0x7F0] =	vst v7  }
0x87: {  	[hbm4b:s2+s1] =	stream.linear.scatter [tilespmem:s1], [sflag:$0x1], $0x800, $0x38;
	[tilespmem:$0x800] =	vst v63  }
0x88: {  	s4 =	sadd.s32 $0x100, s2  }
0x89: {  	[hbm4b:s4+s1] =	stream.linear.scatter [tilespmem:s1], [sflag:$0x1], $0x800, $0x38;
	[tilespmem:$0x800] =	vst v63  }
0x8a: {  	s17 =	sadd.s32 $0x200, s2  }
0x8b: {  	[hbm4b:s17+s1] =	stream.linear.scatter [tilespmem:s1], [sflag:$0x1], $0x800, $0x38;
	[tilespmem:$0x800] =	vst v63  }
0x8c: {  	s18 =	sadd.s32 $0x300, s2  }
0x8d: {  	[hbm4b:s18+s1] =	stream.linear.scatter [tilespmem:s1], [sflag:$0x1], $0x800, $0x38;
	[tilespmem:$0x800] =	vst v63  }
0x8e: {  	s19 =	sadd.s32 $0x400, s2  }
0x8f: {  	[hbm4b:s19+s1] =	stream.linear.scatter [tilespmem:s1], [sflag:$0x1], $0x800, $0x38;
	[tilespmem:$0x800] =	vst v63  }
0x90: {  	s20 =	sadd.s32 $0x500, s2  }
0x91: {  	[hbm4b:s20+s1] =	stream.linear.scatter [tilespmem:s1], [sflag:$0x1], $0x800, $0x38;
	[tilespmem:$0x800] =	vst v63  }
0x92: {  	s21 =	sadd.s32 $0x600, s2  }
0x93: {  	[hbm4b:s21+s1] =	stream.linear.scatter [tilespmem:s1], [sflag:$0x1], $0x800, $0x38;
	[tilespmem:$0x800] =	vst v63  }
0x94: {  	s22 =	sadd.s32 $0x700, s2  }
0x95: {  	[hbm4b:s22+s1] =	stream.linear.scatter [tilespmem:s1], [sflag:$0x1], $0x800, $0x38;
	[tilespmem:$0x800] =	vst v63  }
0x96: {  	s23 =	sadd.s32 $0x800, s2  }
0x97: {  	[hbm4b:s23+s1] =	stream.linear.scatter [tilespmem:s1], [sflag:$0x1], $0x800, $0x38;
	[tilespmem:$0x800] =	vst v63  }
0x98: {  	s24 =	sadd.s32 $0x900, s2  }
0x99: {  	[hbm4b:s24+s1] =	stream.linear.scatter [tilespmem:s1], [sflag:$0x1], $0x800, $0x38;
	[tilespmem:$0x800] =	vst v63  }
0x9a: {  	s25 =	sadd.s32 $0xA00, s2  }
0x9b: {  	[hbm4b:s25+s1] =	stream.linear.scatter [tilespmem:s1], [sflag:$0x1], $0x800, $0x38;
	[tilespmem:$0x800] =	vst v63  }
0x9c: {  	s26 =	sadd.s32 $0xB00, s2  }
0x9d: {  	[hbm4b:s26+s1] =	stream.linear.scatter [tilespmem:s1], [sflag:$0x1], $0x800, $0x38;
	[tilespmem:$0x800] =	vst v63  }
0x9e: {  	s28 =	sadd.s32 $0xC00, s2  }
0x9f: {  	[hbm4b:s28+s1] =	stream.linear.scatter [tilespmem:s1], [sflag:$0x1], $0x800, $0x38;
	[tilespmem:$0x800] =	vst v63  }
0xa0: {  	s29 =	sadd.s32 $0xD00, s2  }
0xa1: {  	[hbm4b:s29+s1] =	stream.linear.scatter [tilespmem:s1], [sflag:$0x1], $0x800, $0x38;
	[tilespmem:$0x800] =	vst v63  }
0xa2: {  	s30 =	sadd.s32 $0xE00, s2  }
0xa3: {  	[hbm4b:s30+s1] =	stream.linear.scatter [tilespmem:s1], [sflag:$0x1], $0x800, $0x38;
	[tilespmem:$0x800] =	vst v63  }
0xa4: {  	s31 =	simm.s32 $0x1;
	s2 =	sadd.s32 $0xF00, s2  }
0xa5: {  	[hbm4b:s2+s1] =	stream.linear.scatter [tilespmem:s1], [sflag:$0x1], $0x800, $0x38;
	[tilespmem:$0x800] =	vst v63  }
0xa6: {  	_ =	swait.ge [sflag:s31], $0x800  }
0xa7: {  	[sflag:s31] =	ssyncset.done $0x0  }
0xa8: {  	[sflag:s31] =	ssyncadd.s32 $0xFFFFF800  }
0xa9: {  	_ =	swait.ge [sflag:s31], $0x800  }
0xaa: {  	[sflag:s31] =	ssyncset.done $0x0  }
0xab: {  	[sflag:s31] =	ssyncadd.s32 $0xFFFFF800  }
0xac: {  	_ =	swait.ge [sflag:s31], $0x800  }
0xad: {  	[sflag:s31] =	ssyncset.done $0x0  }
0xae: {  	[sflag:s31] =	ssyncadd.s32 $0xFFFFF800  }
0xaf: {  	_ =	swait.ge [sflag:s31], $0x800  }
0xb0: {  	[sflag:s31] =	ssyncset.done $0x0  }
0xb1: {  	[sflag:s31] =	ssyncadd.s32 $0xFFFFF800  }
0xb2: {  	_ =	swait.ge [sflag:s31], $0x800  }
0xb3: {  	[sflag:s31] =	ssyncset.done $0x0  }
0xb4: {  	[sflag:s31] =	ssyncadd.s32 $0xFFFFF800  }
0xb5: {  	_ =	swait.ge [sflag:s31], $0x800  }
0xb6: {  	[sflag:s31] =	ssyncset.done $0x0  }
0xb7: {  	[sflag:s31] =	ssyncadd.s32 $0xFFFFF800  }
0xb8: {  	_ =	swait.ge [sflag:s31], $0x800  }
0xb9: {  	[sflag:s31] =	ssyncset.done $0x0  }
0xba: {  	[sflag:s31] =	ssyncadd.s32 $0xFFFFF800  }
0xbb: {  	_ =	swait.ge [sflag:s31], $0x800  }
0xbc: {  	[sflag:s31] =	ssyncset.done $0x0  }
0xbd: {  	[sflag:s31] =	ssyncadd.s32 $0xFFFFF800  }
0xbe: {  	_ =	swait.ge [sflag:s31], $0x800  }
0xbf: {  	[sflag:s31] =	ssyncset.done $0x0  }
0xc0: {  	[sflag:s31] =	ssyncadd.s32 $0xFFFFF800  }
0xc1: {  	_ =	swait.ge [sflag:s31], $0x800  }
0xc2: {  	[sflag:s31] =	ssyncset.done $0x0  }
0xc3: {  	[sflag:s31] =	ssyncadd.s32 $0xFFFFF800  }
0xc4: {  	_ =	swait.ge [sflag:s31], $0x800  }
0xc5: {  	[sflag:s31] =	ssyncset.done $0x0  }
0xc6: {  	[sflag:s31] =	ssyncadd.s32 $0xFFFFF800  }
0xc7: {  	_ =	swait.ge [sflag:s31], $0x800  }
0xc8: {  	[sflag:s31] =	ssyncset.done $0x0  }
0xc9: {  	[sflag:s31] =	ssyncadd.s32 $0xFFFFF800  }
0xca: {  	_ =	swait.ge [sflag:s31], $0x800  }
0xcb: {  	[sflag:s31] =	ssyncset.done $0x0  }
0xcc: {  	[sflag:s31] =	ssyncadd.s32 $0xFFFFF800  }
0xcd: {  	_ =	swait.ge [sflag:s31], $0x800  }
0xce: {  	[sflag:s31] =	ssyncset.done $0x0  }
0xcf: {  	[sflag:s31] =	ssyncadd.s32 $0xFFFFF800  }
0xd0: {  	_ =	swait.ge [sflag:s31], $0x800  }
0xd1: {  	[sflag:s31] =	ssyncset.done $0x0  }
0xd2: {  	[sflag:s31] =	ssyncadd.s32 $0xFFFFF800  }
0xd3: {  	_ =	swait.ge [sflag:s31], $0x800  }
0xd4: {  	[sflag:s31] =	ssyncset.done $0x0  }
0xd5: {  	[sflag:s31] =	ssyncadd.s32 $0xFFFFF800  }
0xd6: {  	_ =	sfence.sel $0x180000  }
0xd7: {  	[bflag:$0x0] =	sbarrier.arrive $0xFFFF  }
0xd8: {  	p0 =	sne.s32 s16, $0x0;
	_ =	strace $0x90000047  }
0xd9: {  	s0 =	sadd.s32 @!p0 $0x100000, s0;
	[bflag:$0x2] =	sbarrier.arrive $0xFFFF  }
0xda: {  	[sflag:s0] =	ssyncadd.tile.s32 @!p0 $0x1;
	_ =	shalt  }
.Lfunc_end2:
_tile_overlayer_lowered:
.L_overlay_start_2:
0xdb: {  	(tag) =	ssettag $0x2  }
0xdc: {  	s0 =	rddreg [dreg:$0x0];
	s2 =	stileid.u32  }
0xdd: {  	s1 =	rddreg [dreg:$0x1];
	p0 =	sne.s32 s2, $0x0  }
0xde: {  	s3 =	rddreg [dreg:$0x2];
	[bflag:$0x3] =	sbarrier.arrive $0xFFFF;
	s2 =	simm.s32 @!p0 $0x1C02  }
0xdf: {  	[timem:s3], [sflag:s2] =	dma.local @!p0 [hbm:s0], s1  }
0xe0: {  	s0 =	simm.s32 @!p0 $0x2  }
0xe1: {  	_ =	swait.ge @!p0 [sflag:s0], s1  }
0xe2: {  	s1 =	ssub.s32 @!p0 $0x0, s1;
	[sflag:s0] =	ssyncset.done @!p0 $0x0  }
0xe3: {  	[sflag:s0] =	ssyncadd.s32 @!p0 s1  }
0xe4: {  	[bflag:$0x3] =	sbarrier.arrive $0xFFFF  }
0xe5: {  	_ =	shalt  }

</sc_bundles>
